<compile_context>
chip_gen: v7x
topology: tpu7x:2x2x1
jax: 0.10.2.dev20260603
libtpu: 0.0.44.dev20260713+nightly
codegen_flags: <defaults>
</compile_context>

<pallas_src>
import functools

import jax
import jax.numpy as jnp
from jax import lax
from jax.experimental import pallas as pl
from jax.experimental.pallas import tpu as pltpu
from jax.experimental.pallas import tpu_sc as plsc

D_MODEL = 128
SELECT_N = 2048


def _score_t_body(b_ref, x_ref, w_ref, eye_ref, key_ref, p_ref):
    xb = x_ref[0]
    s = jax.lax.dot_general(
        w_ref[...], xb, (((1,), (0,)), ((), ())),
        preferred_element_type=jnp.float32,
    )
    s = s + b_ref[0]
    u = jax.lax.bitcast_convert_type(s, jnp.uint32)
    u = jnp.where(u == jnp.uint32(0x80000000), jnp.uint32(0), u)
    key = jnp.where(u >= jnp.uint32(0x80000000), u, (~u) ^ jnp.uint32(0x80000000))
    key_ref[0] = jax.lax.bitcast_convert_type(key, jnp.int32)
    p_ref[0] = jax.lax.dot_general(
        xb, eye_ref[...], (((0,), (0,)), ((), ())),
        precision=jax.lax.Precision.HIGHEST,
        preferred_element_type=jnp.float32,
    )


def _scores_and_patches(x, W, b):
    B, C, D, P = x.shape
    xf = x.reshape(B * C, D, P)
    eye = jnp.eye(D, dtype=jnp.float32)
    keys, patches = pl.pallas_call(
        _score_t_body,
        grid=(B * C,),
        in_specs=[
            pl.BlockSpec(memory_space=pltpu.SMEM),
            pl.BlockSpec((1, D, P), lambda i: (i, 0, 0)),
            pl.BlockSpec((1, D), lambda i: (0, 0)),
            pl.BlockSpec((D, D), lambda i: (0, 0)),
        ],
        out_specs=[
            pl.BlockSpec((1, 1, P), lambda i: (i, 0, 0)),
            pl.BlockSpec((1, P, D), lambda i: (i, 0, 0)),
        ],
        out_shape=[
            jax.ShapeDtypeStruct((B * C, 1, P), jnp.int32),
            jax.ShapeDtypeStruct((B * C, P, D), jnp.float32),
        ],
    )(b, xf, W, eye)
    return keys.reshape(B, C * P), patches.reshape(B * C * P, D)


_SC_INFO = plsc.get_sparse_core_info()
_NC, _NS = _SC_INFO.num_cores, _SC_INFO.num_subcores
_NW = _NC * _NS


_TOTAL = 32768
_NVT = _TOTAL // 16


def _topk_indices(keys):
    B = keys.shape[0]
    mesh = plsc.VectorSubcoreMesh(core_axis_name="c", subcore_axis_name="s")

    @functools.partial(
        pl.kernel, mesh=mesh,
        out_type=jax.ShapeDtypeStruct((B, SELECT_N), jnp.int32),
        compiler_params=pltpu.CompilerParams(needs_layout_passes=False),
        scratch_types=[
            pltpu.VMEM((_TOTAL,), jnp.int32),
            pltpu.VMEM((_TOTAL,), jnp.int32),
            pltpu.VMEM((_TOTAL,), jnp.int32),
            pltpu.VMEM((4096,), jnp.int32),
            pltpu.VMEM((4096,), jnp.int32),
        ],
    )
    def k(keys_hbm, out_hbm, keys_v, perm_a, perm_b, hist, offs):
        wid = lax.axis_index("s") * _NC + lax.axis_index("c")
        iota = lax.broadcasted_iota(jnp.int32, (16,), 0)
        ones = jnp.ones((16,), jnp.int32)
        zeros = jnp.zeros((16,), jnp.int32)

        @pl.when(wid < B)
        def _():
            b = wid
            pltpu.sync_copy(keys_hbm.at[b], keys_v)

            def zh(i, _):
                plsc.store_scatter(hist, [i * 16 + iota], zeros)
                return 0
            lax.fori_loop(0, 256, zh, 0)

            def h0(i, _):
                v = plsc.load_gather(keys_v, [i * 16 + iota])
                d = lax.shift_right_logical(v, 24)
                plsc.addupdate_scatter(hist, [d * 16 + iota], ones)
                return 0
            lax.fori_loop(0, _NVT, h0, 0)

            def cut(d, carry):
                cum, t = carry
                hv = plsc.load_gather(hist, [d * 16 + iota])
                new_cum = cum + jnp.sum(hv)
                t = jnp.where((t < 0) & (new_cum >= SELECT_N), d, t)
                return new_cum, t
            _, t = lax.fori_loop(
                0, 256, cut, (jnp.int32(0), jnp.int32(-1)))

            def comp(i, base):
                idxv = i * 16 + iota
                v = plsc.load_gather(keys_v, [idxv])
                d = lax.shift_right_logical(v, 24)
                p = (d <= t).astype(jnp.int32)
                c = plsc.cumsum(p)
                plsc.store_scatter(perm_a, [base + c - 1], idxv, mask=p == 1)
                return base + jnp.sum(p)
            m = lax.fori_loop(0, _NVT, comp, jnp.int32(0))

            nv = (m + 15) // 16
            mpad = nv * 16
            tz = jnp.minimum(m + iota, jnp.int32(_TOTAL - 1))
            tmask = (m + iota) < mpad
            plsc.store_scatter(perm_a, [tz], zeros, mask=tmask)
            plsc.store_scatter(perm_b, [tz], zeros, mask=tmask)

            def radix_pass(shift, src, dst):
                def z(i, _):
                    plsc.store_scatter(hist, [i * 16 + iota], zeros)
                    return 0
                lax.fori_loop(0, 256, z, 0)

                def s1(i, _):
                    j = iota * nv + i
                    pj = plsc.load_gather(src, [j])
                    kv = plsc.load_gather(keys_v, [pj])
                    d = jnp.bitwise_and(
                        lax.shift_right_logical(kv, shift), 255)
                    plsc.addupdate_scatter(
                        hist, [d * 16 + iota], ones, mask=j < m)
                    return 0
                lax.fori_loop(0, nv, s1, 0)

                def sc2(d, base):
                    hv = plsc.load_gather(hist, [d * 16 + iota])
                    ex = plsc.cumsum(hv) - hv
                    plsc.store_scatter(offs, [d * 16 + iota], base + ex)
                    return base + jnp.sum(hv)
                lax.fori_loop(0, 256, sc2, jnp.int32(0))

                def s2(i, _):
                    j = iota * nv + i
                    msk = j < m
                    pj = plsc.load_gather(src, [j])
                    kv = plsc.load_gather(keys_v, [pj])
                    d = jnp.bitwise_and(
                        lax.shift_right_logical(kv, shift), 255)
                    hidx = d * 16 + iota
                    c = plsc.load_gather(offs, [hidx])
                    plsc.store_scatter(dst, [c], pj, mask=msk)
                    plsc.addupdate_scatter(offs, [hidx], ones, mask=msk)
                    return 0
                lax.fori_loop(0, nv, s2, 0)

            radix_pass(0, perm_a, perm_b)
            radix_pass(8, perm_b, perm_a)
            radix_pass(16, perm_a, perm_b)
            radix_pass(24, perm_b, perm_a)

            def outw(i, _):
                v = plsc.load_gather(perm_a, [i * 16 + iota])
                plsc.store_scatter(
                    perm_b, [i * 16 + iota], v + b * _TOTAL)
                return 0
            lax.fori_loop(0, SELECT_N // 16, outw, 0)
            pltpu.sync_copy(perm_b.at[pl.ds(0, SELECT_N)], out_hbm.at[b])

    return k(keys)


def _gather_rows(idx_flat, patches_flat):
    n_rows = idx_flat.shape[0]
    rows_per_w = n_rows // _NW
    mesh = plsc.VectorSubcoreMesh(core_axis_name="c", subcore_axis_name="s")

    @functools.partial(
        pl.kernel, mesh=mesh,
        out_type=jax.ShapeDtypeStruct((n_rows, D_MODEL), jnp.float32),
        scratch_types=[
            pltpu.VMEM((rows_per_w,), jnp.int32),
            pltpu.VMEM((rows_per_w, D_MODEL), jnp.float32),
            pltpu.SemaphoreType.DMA,
        ],
    )
    def k(idx_hbm, patches_hbm, out_hbm, idx_v, rows_v, sem):
        wid = lax.axis_index("s") * _NC + lax.axis_index("c")
        base = wid * rows_per_w
        pltpu.sync_copy(idx_hbm.at[pl.ds(base, rows_per_w)], idx_v)
        pltpu.async_copy(patches_hbm.at[idx_v], rows_v, sem).wait()
        pltpu.sync_copy(rows_v, out_hbm.at[pl.ds(base, rows_per_w)])

    return k(idx_flat, patches_flat)


def kernel(x, W, b):
    B, C, D, P = x.shape
    keys, patches = _scores_and_patches(x, W, b)
    gidx = _topk_indices(keys)
    selected = _gather_rows(gidx.reshape(-1), patches)
    return selected.reshape(B, SELECT_N, D)

# --- scband reference (transcript-rebuilt; emitter-appended) ---
"""Pipeline reference for scband-patch-selector1-81535659147920 (READ-ONLY COPY).

The authoritative reference and input builder live on the scoring server;
editing this copy changes nothing except your own understanding.
"""

import jax, jax.numpy as jnp
import numpy as np

D_MODEL = 128
SELECT_N = 2048

def setup_inputs(seed: int = 0) -> dict:
    key = jax.random.key(seed)
    k1, k2, k3 = jax.random.split(key, 3)
    x = jax.random.normal(k1, (8, 16, 128, 2048), dtype=jnp.float32)
    # nn.Linear(d_model, 1): weight [1, d_model], bias [1]
    bound = 1.0 / np.sqrt(D_MODEL)
    W = jax.random.uniform(k2, (1, D_MODEL), dtype=jnp.float32, minval=-bound, maxval=bound)
    b = jax.random.uniform(k3, (1,), dtype=jnp.float32, minval=-bound, maxval=bound)
    return {"x": x, "W": W, "b": b}

def reference(x, W, b):
    B, C, D, P = x.shape
    patches = jnp.transpose(x, (0, 1, 3, 2)).reshape(B, C * P, D)
    scores = jnp.einsum('bnd,od->bno', patches, W) + b  # [B, N, 1]
    scores = jnp.squeeze(scores, axis=-1)               # [B, N]
    _, top_idx = jax.lax.top_k(scores, SELECT_N)         # [B, select_n]
    idx_expanded = top_idx[:, :, None]                   # [B, select_n, 1]
    selected = jnp.take_along_axis(patches, idx_expanded, axis=1)  # [B, select_n, D]
    return selected

if __name__ == "__main__":
    import jax
    _d = setup_inputs()
    print(jax.jit(kernel)(*tuple(_d.values())))

</pallas_src>

<mosaic_0001>
#map = affine_map<(d0, d1) -> (0, 0)>
module attributes {stable_mosaic.version = 14 : i64} {
  func.func @k(%arg0: i32, %arg1: i32, %arg2: memref<8x32768xi32, #tpu.memory_space<hbm>>, %arg3: memref<8x2048xi32, #tpu.memory_space<hbm>>, %arg4: memref<32768xi32, #tpu.memory_space<vmem>>, %arg5: memref<32768xi32, #tpu.memory_space<vmem>>, %arg6: memref<32768xi32, #tpu.memory_space<vmem>>, %arg7: memref<4096xi32, #tpu.memory_space<vmem>>, %arg8: memref<4096xi32, #tpu.memory_space<vmem>>) attributes {dimension_semantics = [#tpu.dimension_semantics<core_parallel>, #tpu.dimension_semantics<subcore_parallel>], iteration_bounds = array<i64: 2, 16>, scalar_prefetch = 0 : i64, scratch_operands = 5 : i64, tpu.core_type = #tpu.core_type<sc_vector_subcore>, window_params = [{transform_indices = #map}, {transform_indices = #map}]} {
    %mul3A = arith.constant 2 : i32
    %mul3A_0 = arith.muli %arg1, %mul3A : i32
    %add3A = arith.addi %mul3A_0, %arg0 : i32
    %iota3A = tpu.iota {dimensions = array<i32: 0>} : vector<16xi32>
    %broadcast_in_dim3A = arith.constant 1 : i32
    %broadcast_in_dim3A_1 = vector.broadcast %broadcast_in_dim3A : i32 to vector<16xi32>
    %broadcast_in_dim3A_2 = arith.constant 0 : i32
    %broadcast_in_dim3A_3 = vector.broadcast %broadcast_in_dim3A_2 : i32 to vector<16xi32>
    %lt3A = arith.constant 8 : i32
    %lt3A_4 = arith.cmpi slt, %add3A, %lt3A : i32
    %convert_element_type3A = arith.extui %lt3A_4 : i1 to i32
    %cond3A = arith.constant 0 : i32
    %cond3A_5 = arith.cmpi ne, %convert_element_type3A, %cond3A : i32
    scf.if %cond3A_5 {
      "tpu.region"() ({
        %run_scoped3A = tpu.sem_alloc : memref<!tpu.dma_semaphore, #tpu.memory_space<semaphore_mem>>
        %dma_start3A = arith.constant 0 : i32
        %dma_start3A_220 = tpu.memref_slice %arg2[%add3A, %dma_start3A] : memref<8x32768xi32, #tpu.memory_space<hbm>> -> memref<1x32768xi32, #tpu.memory_space<hbm>>
        %dma_start3A_221 = tpu.memref_squeeze %dma_start3A_220 : memref<1x32768xi32, #tpu.memory_space<hbm>> -> memref<32768xi32, #tpu.memory_space<hbm>>
        %dma_start3A_222 = arith.constant 0 : i32
        %dma_start3A_223 = tpu.memref_slice %arg2[%add3A, %dma_start3A_222] : memref<8x32768xi32, #tpu.memory_space<hbm>> -> memref<1x32768xi32, #tpu.memory_space<hbm>>
        %dma_start3A_224 = tpu.memref_squeeze %dma_start3A_223 : memref<1x32768xi32, #tpu.memory_space<hbm>> -> memref<32768xi32, #tpu.memory_space<hbm>>
        tpu.enqueue_dma source(%dma_start3A_224 : memref<32768xi32, #tpu.memory_space<hbm>>) target(%arg4 : memref<32768xi32, #tpu.memory_space<vmem>>) target_semaphore(%run_scoped3A : memref<!tpu.dma_semaphore, #tpu.memory_space<semaphore_mem>>)
        %dma_wait3A = arith.constant 0 : i32
        %dma_wait3A_225 = tpu.memref_slice %arg2[%add3A, %dma_wait3A] : memref<8x32768xi32, #tpu.memory_space<hbm>> -> memref<1x32768xi32, #tpu.memory_space<hbm>>
        %dma_wait3A_226 = tpu.memref_squeeze %dma_wait3A_225 : memref<1x32768xi32, #tpu.memory_space<hbm>> -> memref<32768xi32, #tpu.memory_space<hbm>>
        %dma_wait3A_227 = arith.constant 0 : i32
        %dma_wait3A_228 = tpu.memref_slice %arg2[%add3A, %dma_wait3A_227] : memref<8x32768xi32, #tpu.memory_space<hbm>> -> memref<1x32768xi32, #tpu.memory_space<hbm>>
        %dma_wait3A_229 = tpu.memref_squeeze %dma_wait3A_228 : memref<1x32768xi32, #tpu.memory_space<hbm>> -> memref<32768xi32, #tpu.memory_space<hbm>>
        tpu.wait_dma2 semaphore(%run_scoped3A : memref<!tpu.dma_semaphore, #tpu.memory_space<semaphore_mem>>) src(%dma_wait3A_229 : memref<32768xi32, #tpu.memory_space<hbm>>) dst(%arg4 : memref<32768xi32, #tpu.memory_space<vmem>>)
        tpu.yield
      }) : () -> ()
      %scan3A = arith.constant 0 : i32
      %scan3A_6 = arith.constant 0 : i32
      %scan3A_7 = arith.constant 256 : i32
      %scan3A_8 = arith.addi %scan3A_6, %scan3A_7 : i32
      %scan3A_9 = arith.constant 1 : i32
      %scan3A_10 = scf.for %scan3A_220 = %scan3A_6 to %scan3A_8 step %scan3A_9 iter_args(%scan3A_221 = %scan3A) -> (i32)  : i32 {
        %mul3A_222 = arith.constant 16 : i32
        %mul3A_223 = arith.muli %scan3A_220, %mul3A_222 : i32
        %add3A_224 = vector.broadcast %mul3A_223 : i32 to vector<16xi32>
        %add3A_225 = arith.addi %add3A_224, %iota3A : vector<16xi32>
        tpu.vector_store_idx %arg7[%add3A_225], %broadcast_in_dim3A_3 : memref<4096xi32, #tpu.memory_space<vmem>>[vector<16xi32>], vector<16xi32>,
        %scan3A_226 = arith.constant 0 : i32
        scf.yield %scan3A_226 : i32
      }
      %scan3A_11 = arith.constant 256 : i32
      %scan3A_12 = arith.constant 0 : i32
      %scan3A_13 = arith.constant 0 : i32
      %scan3A_14 = arith.constant 2048 : i32
      %scan3A_15 = arith.addi %scan3A_13, %scan3A_14 : i32
      %scan3A_16 = arith.constant 1 : i32
      %scan3A_17 = scf.for %scan3A_220 = %scan3A_13 to %scan3A_15 step %scan3A_16 iter_args(%scan3A_221 = %scan3A_12) -> (i32)  : i32 {
        %mul3A_222 = arith.constant 16 : i32
        %mul3A_223 = arith.muli %scan3A_220, %mul3A_222 : i32
        %add3A_224 = vector.broadcast %mul3A_223 : i32 to vector<16xi32>
        %add3A_225 = arith.addi %add3A_224, %iota3A : vector<16xi32>
        %gather3A = tpu.vector_load_idx %arg4[%add3A_225] : memref<32768xi32, #tpu.memory_space<vmem>>[vector<16xi32>], vector<16xi32>,
        %shift_right_logical3A = arith.constant 24 : i32
        %shift_right_logical3A_226 = vector.broadcast %shift_right_logical3A : i32 to vector<16xi32>
        %shift_right_logical3A_227 = arith.shrui %gather3A, %shift_right_logical3A_226 : vector<16xi32>
        %mul3A_228 = arith.constant 16 : i32
        %mul3A_229 = vector.broadcast %mul3A_228 : i32 to vector<16xi32>
        %mul3A_230 = arith.muli %shift_right_logical3A_227, %mul3A_229 : vector<16xi32>
        %add3A_231 = arith.addi %mul3A_230, %iota3A : vector<16xi32>
        tpu.vector_store_idx %arg7[%add3A_231], %broadcast_in_dim3A_1 {add = true} : memref<4096xi32, #tpu.memory_space<vmem>>[vector<16xi32>], vector<16xi32>,
        %scan3A_232 = arith.constant 0 : i32
        scf.yield %scan3A_232 : i32
      }
      %scan3A_18 = arith.constant 2048 : i32
      %scan3A_19 = arith.constant 0 : i32
      %scan3A_20 = arith.constant -1 : i32
      %scan3A_21 = arith.constant 0 : i32
      %scan3A_22 = arith.constant 256 : i32
      %scan3A_23 = arith.addi %scan3A_21, %scan3A_22 : i32
      %scan3A_24 = arith.constant 1 : i32
      %scan3A_25:2 = scf.for %scan3A_220 = %scan3A_21 to %scan3A_23 step %scan3A_24 iter_args(%scan3A_221 = %scan3A_19, %scan3A_222 = %scan3A_20) -> (i32, i32)  : i32 {
        %mul3A_223 = arith.constant 16 : i32
        %mul3A_224 = arith.muli %scan3A_220, %mul3A_223 : i32
        %add3A_225 = vector.broadcast %mul3A_224 : i32 to vector<16xi32>
        %add3A_226 = arith.addi %add3A_225, %iota3A : vector<16xi32>
        %gather3A = tpu.vector_load_idx %arg7[%add3A_226] : memref<4096xi32, #tpu.memory_space<vmem>>[vector<16xi32>], vector<16xi32>,
        %reduce_sum3A = arith.constant true
        %reduce_sum3A_227 = vector.broadcast %reduce_sum3A : i1 to vector<16xi1>
        %reduce_sum3A_228 = tpu.scan <sum>, %gather3A masked %reduce_sum3A_227 : vector<16xi32>, vector<16xi1> -> vector<16xi32>
        %reduce_sum3A_229 = vector.extract %reduce_sum3A_228[15] : i32 from vector<16xi32>
        %add3A_230 = arith.addi %scan3A_221, %reduce_sum3A_229 : i32
        %lt3A_231 = arith.constant 0 : i32
        %lt3A_232 = arith.cmpi slt, %scan3A_222, %lt3A_231 : i32
        %ge3A = arith.constant 2048 : i32
        %ge3A_233 = arith.cmpi sge, %add3A_230, %ge3A : i32
        %and3A_234 = arith.andi %lt3A_232, %ge3A_233 : i1
        %select_n3A_235 = arith.select %and3A_234, %scan3A_220, %scan3A_222 : i32
        scf.yield %add3A_230, %select_n3A_235 : i32, i32
      }
      %scan3A_26 = arith.constant 256 : i32
      %scan3A_27 = arith.constant 0 : i32
      %scan3A_28 = arith.constant 0 : i32
      %scan3A_29 = arith.constant 2048 : i32
      %scan3A_30 = arith.addi %scan3A_28, %scan3A_29 : i32
      %scan3A_31 = arith.constant 1 : i32
      %scan3A_32 = scf.for %scan3A_220 = %scan3A_28 to %scan3A_30 step %scan3A_31 iter_args(%scan3A_221 = %scan3A_27) -> (i32)  : i32 {
        %mul3A_222 = arith.constant 16 : i32
        %mul3A_223 = arith.muli %scan3A_220, %mul3A_222 : i32
        %add3A_224 = vector.broadcast %mul3A_223 : i32 to vector<16xi32>
        %add3A_225 = arith.addi %add3A_224, %iota3A : vector<16xi32>
        %gather3A = tpu.vector_load_idx %arg4[%add3A_225] : memref<32768xi32, #tpu.memory_space<vmem>>[vector<16xi32>], vector<16xi32>,
        %shift_right_logical3A = arith.constant 24 : i32
        %shift_right_logical3A_226 = vector.broadcast %shift_right_logical3A : i32 to vector<16xi32>
        %shift_right_logical3A_227 = arith.shrui %gather3A, %shift_right_logical3A_226 : vector<16xi32>
        %le3A = vector.broadcast %scan3A_25#1 : i32 to vector<16xi32>
        %le3A_228 = arith.cmpi sle, %shift_right_logical3A_227, %le3A : vector<16xi32>
        %convert_element_type3A_229 = arith.extui %le3A_228 : vector<16xi1> to vector<16xi32>
        %broadcast_in_dim3A_230 = arith.constant true
        %broadcast_in_dim3A_231 = vector.broadcast %broadcast_in_dim3A_230 : i1 to vector<16xi1>
        %masked_cumsum3A = tpu.scan <sum>, %convert_element_type3A_229 masked %broadcast_in_dim3A_231 : vector<16xi32>, vector<16xi1> -> vector<16xi32>
        %add3A_232 = vector.broadcast %scan3A_221 : i32 to vector<16xi32>
        %add3A_233 = arith.addi %add3A_232, %masked_cumsum3A : vector<16xi32>
        %sub3A_234 = arith.constant 1 : i32
        %sub3A_235 = vector.broadcast %sub3A_234 : i32 to vector<16xi32>
        %sub3A_236 = arith.subi %add3A_233, %sub3A_235 : vector<16xi32>
        %eq3A = arith.constant 1 : i32
        %eq3A_237 = vector.broadcast %eq3A : i32 to vector<16xi32>
        %eq3A_238 = arith.cmpi eq, %convert_element_type3A_229, %eq3A_237 : vector<16xi32>
        tpu.vector_store_idx %arg5[%sub3A_236], %add3A_225 masked %eq3A_238 : memref<32768xi32, #tpu.memory_space<vmem>>[vector<16xi32>], vector<16xi32>, vector<16xi1>
        %reduce_sum3A = arith.constant true
        %reduce_sum3A_239 = vector.broadcast %reduce_sum3A : i1 to vector<16xi1>
        %reduce_sum3A_240 = tpu.scan <sum>, %convert_element_type3A_229 masked %reduce_sum3A_239 : vector<16xi32>, vector<16xi1> -> vector<16xi32>
        %reduce_sum3A_241 = vector.extract %reduce_sum3A_240[15] : i32 from vector<16xi32>
        %add3A_242 = arith.addi %scan3A_221, %reduce_sum3A_241 : i32
        scf.yield %add3A_242 : i32
      }
      %scan3A_33 = arith.constant 2048 : i32
      %add3A_34 = arith.constant 15 : i32
      %add3A_35 = arith.addi %scan3A_32, %add3A_34 : i32
      %jit3A = arith.constant 16 : i32
      %div3A = arith.divsi %add3A_35, %jit3A : i32
      %sign3A = arith.constant 0 : i32
      %sign3A_36 = arith.cmpi sgt, %add3A_35, %sign3A : i32
      %sign3A_37 = arith.extui %sign3A_36 : i1 to i32
      %sign3A_38 = arith.constant 0 : i32
      %sign3A_39 = arith.cmpi slt, %add3A_35, %sign3A_38 : i32
      %sign3A_40 = arith.extui %sign3A_39 : i1 to i32
      %sign3A_41 = arith.subi %sign3A_37, %sign3A_40 : i32
      %sign3A_42 = arith.constant 0 : i32
      %sign3A_43 = arith.cmpi sgt, %jit3A, %sign3A_42 : i32
      %sign3A_44 = arith.extui %sign3A_43 : i1 to i32
      %sign3A_45 = arith.constant 0 : i32
      %sign3A_46 = arith.cmpi slt, %jit3A, %sign3A_45 : i32
      %sign3A_47 = arith.extui %sign3A_46 : i1 to i32
      %sign3A_48 = arith.subi %sign3A_44, %sign3A_47 : i32
      %ne3A = arith.cmpi ne, %sign3A_41, %sign3A_48 : i32
      %rem3A = arith.remsi %add3A_35, %jit3A : i32
      %ne3A_49 = arith.constant 0 : i32
      %ne3A_50 = arith.cmpi ne, %rem3A, %ne3A_49 : i32
      %and3A = arith.andi %ne3A, %ne3A_50 : i1
      %sub3A = arith.constant 1 : i32
      %sub3A_51 = arith.subi %div3A, %sub3A : i32
      %select_n3A = arith.select %and3A, %sub3A_51, %div3A : i32
      %mul3A_52 = arith.constant 16 : i32
      %mul3A_53 = arith.muli %select_n3A, %mul3A_52 : i32
      %add3A_54 = vector.broadcast %scan3A_32 : i32 to vector<16xi32>
      %add3A_55 = arith.addi %add3A_54, %iota3A : vector<16xi32>
      %min3A = arith.constant 32767 : i32
      %min3A_56 = vector.broadcast %min3A : i32 to vector<16xi32>
      %min3A_57 = arith.minsi %add3A_55, %min3A_56 : vector<16xi32>
      %add3A_58 = vector.broadcast %scan3A_32 : i32 to vector<16xi32>
      %add3A_59 = arith.addi %add3A_58, %iota3A : vector<16xi32>
      %lt3A_60 = vector.broadcast %mul3A_53 : i32 to vector<16xi32>
      %lt3A_61 = arith.cmpi slt, %add3A_59, %lt3A_60 : vector<16xi32>
      tpu.vector_store_idx %arg5[%min3A_57], %broadcast_in_dim3A_3 masked %lt3A_61 : memref<32768xi32, #tpu.memory_space<vmem>>[vector<16xi32>], vector<16xi32>, vector<16xi1>
      tpu.vector_store_idx %arg6[%min3A_57], %broadcast_in_dim3A_3 masked %lt3A_61 : memref<32768xi32, #tpu.memory_space<vmem>>[vector<16xi32>], vector<16xi32>, vector<16xi1>
      %scan3A_62 = arith.constant 0 : i32
      %scan3A_63 = arith.constant 0 : i32
      %scan3A_64 = arith.constant 256 : i32
      %scan3A_65 = arith.addi %scan3A_63, %scan3A_64 : i32
      %scan3A_66 = arith.constant 1 : i32
      %scan3A_67 = scf.for %scan3A_220 = %scan3A_63 to %scan3A_65 step %scan3A_66 iter_args(%scan3A_221 = %scan3A_62) -> (i32)  : i32 {
        %mul3A_222 = arith.constant 16 : i32
        %mul3A_223 = arith.muli %scan3A_220, %mul3A_222 : i32
        %add3A_224 = vector.broadcast %mul3A_223 : i32 to vector<16xi32>
        %add3A_225 = arith.addi %add3A_224, %iota3A : vector<16xi32>
        tpu.vector_store_idx %arg7[%add3A_225], %broadcast_in_dim3A_3 : memref<4096xi32, #tpu.memory_space<vmem>>[vector<16xi32>], vector<16xi32>,
        %scan3A_226 = arith.constant 0 : i32
        scf.yield %scan3A_226 : i32
      }
      %scan3A_68 = arith.constant 256 : i32
      %while3A = arith.constant 0 : i32
      %while3A_69 = arith.constant 0 : i32
      %while3A_70 = arith.subi %select_n3A, %while3A : i32
      %while3A_71 = arith.addi %while3A, %while3A_70 : i32
      %while3A_72 = arith.constant 1 : i32
      %while3A_73 = arith.divsi %while3A_70, %while3A_72 : i32
      %while3A_74 = arith.muli %while3A_73, %while3A_72 : i32
      %while3A_75 = arith.addi %while3A, %while3A_74 : i32
      %while3A_76 = arith.constant 1 : i32
      %while3A_77 = scf.for %while3A_220 = %while3A to %while3A_75 step %while3A_76 iter_args(%while3A_221 = %while3A_69) -> (i32)  : i32 {
        %mul3A_222 = vector.broadcast %select_n3A : i32 to vector<16xi32>
        %mul3A_223 = arith.muli %iota3A, %mul3A_222 : vector<16xi32>
        %add3A_224 = vector.broadcast %while3A_220 : i32 to vector<16xi32>
        %add3A_225 = arith.addi %mul3A_223, %add3A_224 : vector<16xi32>
        %gather3A = tpu.vector_load_idx %arg5[%add3A_225] : memref<32768xi32, #tpu.memory_space<vmem>>[vector<16xi32>], vector<16xi32>,
        %gather3A_226 = tpu.vector_load_idx %arg4[%gather3A] : memref<32768xi32, #tpu.memory_space<vmem>>[vector<16xi32>], vector<16xi32>,
        %shift_right_logical3A = arith.constant 0 : i32
        %shift_right_logical3A_227 = vector.broadcast %shift_right_logical3A : i32 to vector<16xi32>
        %shift_right_logical3A_228 = arith.shrui %gather3A_226, %shift_right_logical3A_227 : vector<16xi32>
        %and3A_229 = arith.constant 255 : i32
        %and3A_230 = vector.broadcast %and3A_229 : i32 to vector<16xi32>
        %and3A_231 = arith.andi %shift_right_logical3A_228, %and3A_230 : vector<16xi32>
        %mul3A_232 = arith.constant 16 : i32
        %mul3A_233 = vector.broadcast %mul3A_232 : i32 to vector<16xi32>
        %mul3A_234 = arith.muli %and3A_231, %mul3A_233 : vector<16xi32>
        %add3A_235 = arith.addi %mul3A_234, %iota3A : vector<16xi32>
        %lt3A_236 = vector.broadcast %scan3A_32 : i32 to vector<16xi32>
        %lt3A_237 = arith.cmpi slt, %add3A_225, %lt3A_236 : vector<16xi32>
        tpu.vector_store_idx %arg7[%add3A_235], %broadcast_in_dim3A_1 masked %lt3A_237 {add = true} : memref<4096xi32, #tpu.memory_space<vmem>>[vector<16xi32>], vector<16xi32>, vector<16xi1>
        %while3A_238 = arith.constant 0 : i32
        scf.yield %while3A_238 : i32
      }
      %while3A_78 = arith.constant 1 : i32
      %while3A_79 = scf.for %while3A_220 = %while3A_75 to %while3A_71 step %while3A_78 iter_args(%while3A_221 = %while3A_77) -> (i32)  : i32 {
        %mul3A_222 = vector.broadcast %select_n3A : i32 to vector<16xi32>
        %mul3A_223 = arith.muli %iota3A, %mul3A_222 : vector<16xi32>
        %add3A_224 = vector.broadcast %while3A_220 : i32 to vector<16xi32>
        %add3A_225 = arith.addi %mul3A_223, %add3A_224 : vector<16xi32>
        %gather3A = tpu.vector_load_idx %arg5[%add3A_225] : memref<32768xi32, #tpu.memory_space<vmem>>[vector<16xi32>], vector<16xi32>,
        %gather3A_226 = tpu.vector_load_idx %arg4[%gather3A] : memref<32768xi32, #tpu.memory_space<vmem>>[vector<16xi32>], vector<16xi32>,
        %shift_right_logical3A = arith.constant 0 : i32
        %shift_right_logical3A_227 = vector.broadcast %shift_right_logical3A : i32 to vector<16xi32>
        %shift_right_logical3A_228 = arith.shrui %gather3A_226, %shift_right_logical3A_227 : vector<16xi32>
        %and3A_229 = arith.constant 255 : i32
        %and3A_230 = vector.broadcast %and3A_229 : i32 to vector<16xi32>
        %and3A_231 = arith.andi %shift_right_logical3A_228, %and3A_230 : vector<16xi32>
        %mul3A_232 = arith.constant 16 : i32
        %mul3A_233 = vector.broadcast %mul3A_232 : i32 to vector<16xi32>
        %mul3A_234 = arith.muli %and3A_231, %mul3A_233 : vector<16xi32>
        %add3A_235 = arith.addi %mul3A_234, %iota3A : vector<16xi32>
        %lt3A_236 = vector.broadcast %scan3A_32 : i32 to vector<16xi32>
        %lt3A_237 = arith.cmpi slt, %add3A_225, %lt3A_236 : vector<16xi32>
        tpu.vector_store_idx %arg7[%add3A_235], %broadcast_in_dim3A_1 masked %lt3A_237 {add = true} : memref<4096xi32, #tpu.memory_space<vmem>>[vector<16xi32>], vector<16xi32>, vector<16xi1>
        %while3A_238 = arith.constant 0 : i32
        scf.yield %while3A_238 : i32
      }
      %scan3A_80 = arith.constant 0 : i32
      %scan3A_81 = arith.constant 0 : i32
      %scan3A_82 = arith.constant 256 : i32
      %scan3A_83 = arith.addi %scan3A_81, %scan3A_82 : i32
      %scan3A_84 = arith.constant 1 : i32
      %scan3A_85 = scf.for %scan3A_220 = %scan3A_81 to %scan3A_83 step %scan3A_84 iter_args(%scan3A_221 = %scan3A_80) -> (i32)  : i32 {
        %mul3A_222 = arith.constant 16 : i32
        %mul3A_223 = arith.muli %scan3A_220, %mul3A_222 : i32
        %add3A_224 = vector.broadcast %mul3A_223 : i32 to vector<16xi32>
        %add3A_225 = arith.addi %add3A_224, %iota3A : vector<16xi32>
        %gather3A = tpu.vector_load_idx %arg7[%add3A_225] : memref<4096xi32, #tpu.memory_space<vmem>>[vector<16xi32>], vector<16xi32>,
        %broadcast_in_dim3A_226 = arith.constant true
        %broadcast_in_dim3A_227 = vector.broadcast %broadcast_in_dim3A_226 : i1 to vector<16xi1>
        %masked_cumsum3A = tpu.scan <sum>, %gather3A masked %broadcast_in_dim3A_227 : vector<16xi32>, vector<16xi1> -> vector<16xi32>
        %sub3A_228 = arith.subi %masked_cumsum3A, %gather3A : vector<16xi32>
        %mul3A_229 = arith.constant 16 : i32
        %mul3A_230 = arith.muli %scan3A_220, %mul3A_229 : i32
        %add3A_231 = vector.broadcast %mul3A_230 : i32 to vector<16xi32>
        %add3A_232 = arith.addi %add3A_231, %iota3A : vector<16xi32>
        %add3A_233 = vector.broadcast %scan3A_221 : i32 to vector<16xi32>
        %add3A_234 = arith.addi %add3A_233, %sub3A_228 : vector<16xi32>
        tpu.vector_store_idx %arg8[%add3A_232], %add3A_234 : memref<4096xi32, #tpu.memory_space<vmem>>[vector<16xi32>], vector<16xi32>,
        %reduce_sum3A = arith.constant true
        %reduce_sum3A_235 = vector.broadcast %reduce_sum3A : i1 to vector<16xi1>
        %reduce_sum3A_236 = tpu.scan <sum>, %gather3A masked %reduce_sum3A_235 : vector<16xi32>, vector<16xi1> -> vector<16xi32>
        %reduce_sum3A_237 = vector.extract %reduce_sum3A_236[15] : i32 from vector<16xi32>
        %add3A_238 = arith.addi %scan3A_221, %reduce_sum3A_237 : i32
        scf.yield %add3A_238 : i32
      }
      %scan3A_86 = arith.constant 256 : i32
      %while3A_87 = arith.constant 0 : i32
      %while3A_88 = arith.constant 0 : i32
      %while3A_89 = arith.subi %select_n3A, %while3A_87 : i32
      %while3A_90 = arith.addi %while3A_87, %while3A_89 : i32
      %while3A_91 = arith.constant 1 : i32
      %while3A_92 = arith.divsi %while3A_89, %while3A_91 : i32
      %while3A_93 = arith.muli %while3A_92, %while3A_91 : i32
      %while3A_94 = arith.addi %while3A_87, %while3A_93 : i32
      %while3A_95 = arith.constant 1 : i32
      %while3A_96 = scf.for %while3A_220 = %while3A_87 to %while3A_94 step %while3A_95 iter_args(%while3A_221 = %while3A_88) -> (i32)  : i32 {
        %mul3A_222 = vector.broadcast %select_n3A : i32 to vector<16xi32>
        %mul3A_223 = arith.muli %iota3A, %mul3A_222 : vector<16xi32>
        %add3A_224 = vector.broadcast %while3A_220 : i32 to vector<16xi32>
        %add3A_225 = arith.addi %mul3A_223, %add3A_224 : vector<16xi32>
        %lt3A_226 = vector.broadcast %scan3A_32 : i32 to vector<16xi32>
        %lt3A_227 = arith.cmpi slt, %add3A_225, %lt3A_226 : vector<16xi32>
        %gather3A = tpu.vector_load_idx %arg5[%add3A_225] : memref<32768xi32, #tpu.memory_space<vmem>>[vector<16xi32>], vector<16xi32>,
        %gather3A_228 = tpu.vector_load_idx %arg4[%gather3A] : memref<32768xi32, #tpu.memory_space<vmem>>[vector<16xi32>], vector<16xi32>,
        %shift_right_logical3A = arith.constant 0 : i32
        %shift_right_logical3A_229 = vector.broadcast %shift_right_logical3A : i32 to vector<16xi32>
        %shift_right_logical3A_230 = arith.shrui %gather3A_228, %shift_right_logical3A_229 : vector<16xi32>
        %and3A_231 = arith.constant 255 : i32
        %and3A_232 = vector.broadcast %and3A_231 : i32 to vector<16xi32>
        %and3A_233 = arith.andi %shift_right_logical3A_230, %and3A_232 : vector<16xi32>
        %mul3A_234 = arith.constant 16 : i32
        %mul3A_235 = vector.broadcast %mul3A_234 : i32 to vector<16xi32>
        %mul3A_236 = arith.muli %and3A_233, %mul3A_235 : vector<16xi32>
        %add3A_237 = arith.addi %mul3A_236, %iota3A : vector<16xi32>
        %gather3A_238 = tpu.vector_load_idx %arg8[%add3A_237] : memref<4096xi32, #tpu.memory_space<vmem>>[vector<16xi32>], vector<16xi32>,
        tpu.vector_store_idx %arg6[%gather3A_238], %gather3A masked %lt3A_227 : memref<32768xi32, #tpu.memory_space<vmem>>[vector<16xi32>], vector<16xi32>, vector<16xi1>
        tpu.vector_store_idx %arg8[%add3A_237], %broadcast_in_dim3A_1 masked %lt3A_227 {add = true} : memref<4096xi32, #tpu.memory_space<vmem>>[vector<16xi32>], vector<16xi32>, vector<16xi1>
        %while3A_239 = arith.constant 0 : i32
        scf.yield %while3A_239 : i32
      }
      %while3A_97 = arith.constant 1 : i32
      %while3A_98 = scf.for %while3A_220 = %while3A_94 to %while3A_90 step %while3A_97 iter_args(%while3A_221 = %while3A_96) -> (i32)  : i32 {
        %mul3A_222 = vector.broadcast %select_n3A : i32 to vector<16xi32>
        %mul3A_223 = arith.muli %iota3A, %mul3A_222 : vector<16xi32>
        %add3A_224 = vector.broadcast %while3A_220 : i32 to vector<16xi32>
        %add3A_225 = arith.addi %mul3A_223, %add3A_224 : vector<16xi32>
        %lt3A_226 = vector.broadcast %scan3A_32 : i32 to vector<16xi32>
        %lt3A_227 = arith.cmpi slt, %add3A_225, %lt3A_226 : vector<16xi32>
        %gather3A = tpu.vector_load_idx %arg5[%add3A_225] : memref<32768xi32, #tpu.memory_space<vmem>>[vector<16xi32>], vector<16xi32>,
        %gather3A_228 = tpu.vector_load_idx %arg4[%gather3A] : memref<32768xi32, #tpu.memory_space<vmem>>[vector<16xi32>], vector<16xi32>,
        %shift_right_logical3A = arith.constant 0 : i32
        %shift_right_logical3A_229 = vector.broadcast %shift_right_logical3A : i32 to vector<16xi32>
        %shift_right_logical3A_230 = arith.shrui %gather3A_228, %shift_right_logical3A_229 : vector<16xi32>
        %and3A_231 = arith.constant 255 : i32
        %and3A_232 = vector.broadcast %and3A_231 : i32 to vector<16xi32>
        %and3A_233 = arith.andi %shift_right_logical3A_230, %and3A_232 : vector<16xi32>
        %mul3A_234 = arith.constant 16 : i32
        %mul3A_235 = vector.broadcast %mul3A_234 : i32 to vector<16xi32>
        %mul3A_236 = arith.muli %and3A_233, %mul3A_235 : vector<16xi32>
        %add3A_237 = arith.addi %mul3A_236, %iota3A : vector<16xi32>
        %gather3A_238 = tpu.vector_load_idx %arg8[%add3A_237] : memref<4096xi32, #tpu.memory_space<vmem>>[vector<16xi32>], vector<16xi32>,
        tpu.vector_store_idx %arg6[%gather3A_238], %gather3A masked %lt3A_227 : memref<32768xi32, #tpu.memory_space<vmem>>[vector<16xi32>], vector<16xi32>, vector<16xi1>
        tpu.vector_store_idx %arg8[%add3A_237], %broadcast_in_dim3A_1 masked %lt3A_227 {add = true} : memref<4096xi32, #tpu.memory_space<vmem>>[vector<16xi32>], vector<16xi32>, vector<16xi1>
        %while3A_239 = arith.constant 0 : i32
        scf.yield %while3A_239 : i32
      }
      %scan3A_99 = arith.constant 0 : i32
      %scan3A_100 = arith.constant 0 : i32
      %scan3A_101 = arith.constant 256 : i32
      %scan3A_102 = arith.addi %scan3A_100, %scan3A_101 : i32
      %scan3A_103 = arith.constant 1 : i32
      %scan3A_104 = scf.for %scan3A_220 = %scan3A_100 to %scan3A_102 step %scan3A_103 iter_args(%scan3A_221 = %scan3A_99) -> (i32)  : i32 {
        %mul3A_222 = arith.constant 16 : i32
        %mul3A_223 = arith.muli %scan3A_220, %mul3A_222 : i32
        %add3A_224 = vector.broadcast %mul3A_223 : i32 to vector<16xi32>
        %add3A_225 = arith.addi %add3A_224, %iota3A : vector<16xi32>
        tpu.vector_store_idx %arg7[%add3A_225], %broadcast_in_dim3A_3 : memref<4096xi32, #tpu.memory_space<vmem>>[vector<16xi32>], vector<16xi32>,
        %scan3A_226 = arith.constant 0 : i32
        scf.yield %scan3A_226 : i32
      }
      %scan3A_105 = arith.constant 256 : i32
      %while3A_106 = arith.constant 0 : i32
      %while3A_107 = arith.constant 0 : i32
      %while3A_108 = arith.subi %select_n3A, %while3A_106 : i32
      %while3A_109 = arith.addi %while3A_106, %while3A_108 : i32
      %while3A_110 = arith.constant 1 : i32
      %while3A_111 = arith.divsi %while3A_108, %while3A_110 : i32
      %while3A_112 = arith.muli %while3A_111, %while3A_110 : i32
      %while3A_113 = arith.addi %while3A_106, %while3A_112 : i32
      %while3A_114 = arith.constant 1 : i32
      %while3A_115 = scf.for %while3A_220 = %while3A_106 to %while3A_113 step %while3A_114 iter_args(%while3A_221 = %while3A_107) -> (i32)  : i32 {
        %mul3A_222 = vector.broadcast %select_n3A : i32 to vector<16xi32>
        %mul3A_223 = arith.muli %iota3A, %mul3A_222 : vector<16xi32>
        %add3A_224 = vector.broadcast %while3A_220 : i32 to vector<16xi32>
        %add3A_225 = arith.addi %mul3A_223, %add3A_224 : vector<16xi32>
        %gather3A = tpu.vector_load_idx %arg6[%add3A_225] : memref<32768xi32, #tpu.memory_space<vmem>>[vector<16xi32>], vector<16xi32>,
        %gather3A_226 = tpu.vector_load_idx %arg4[%gather3A] : memref<32768xi32, #tpu.memory_space<vmem>>[vector<16xi32>], vector<16xi32>,
        %shift_right_logical3A = arith.constant 8 : i32
        %shift_right_logical3A_227 = vector.broadcast %shift_right_logical3A : i32 to vector<16xi32>
        %shift_right_logical3A_228 = arith.shrui %gather3A_226, %shift_right_logical3A_227 : vector<16xi32>
        %and3A_229 = arith.constant 255 : i32
        %and3A_230 = vector.broadcast %and3A_229 : i32 to vector<16xi32>
        %and3A_231 = arith.andi %shift_right_logical3A_228, %and3A_230 : vector<16xi32>
        %mul3A_232 = arith.constant 16 : i32
        %mul3A_233 = vector.broadcast %mul3A_232 : i32 to vector<16xi32>
        %mul3A_234 = arith.muli %and3A_231, %mul3A_233 : vector<16xi32>
        %add3A_235 = arith.addi %mul3A_234, %iota3A : vector<16xi32>
        %lt3A_236 = vector.broadcast %scan3A_32 : i32 to vector<16xi32>
        %lt3A_237 = arith.cmpi slt, %add3A_225, %lt3A_236 : vector<16xi32>
        tpu.vector_store_idx %arg7[%add3A_235], %broadcast_in_dim3A_1 masked %lt3A_237 {add = true} : memref<4096xi32, #tpu.memory_space<vmem>>[vector<16xi32>], vector<16xi32>, vector<16xi1>
        %while3A_238 = arith.constant 0 : i32
        scf.yield %while3A_238 : i32
      }
      %while3A_116 = arith.constant 1 : i32
      %while3A_117 = scf.for %while3A_220 = %while3A_113 to %while3A_109 step %while3A_116 iter_args(%while3A_221 = %while3A_115) -> (i32)  : i32 {
        %mul3A_222 = vector.broadcast %select_n3A : i32 to vector<16xi32>
        %mul3A_223 = arith.muli %iota3A, %mul3A_222 : vector<16xi32>
        %add3A_224 = vector.broadcast %while3A_220 : i32 to vector<16xi32>
        %add3A_225 = arith.addi %mul3A_223, %add3A_224 : vector<16xi32>
        %gather3A = tpu.vector_load_idx %arg6[%add3A_225] : memref<32768xi32, #tpu.memory_space<vmem>>[vector<16xi32>], vector<16xi32>,
        %gather3A_226 = tpu.vector_load_idx %arg4[%gather3A] : memref<32768xi32, #tpu.memory_space<vmem>>[vector<16xi32>], vector<16xi32>,
        %shift_right_logical3A = arith.constant 8 : i32
        %shift_right_logical3A_227 = vector.broadcast %shift_right_logical3A : i32 to vector<16xi32>
        %shift_right_logical3A_228 = arith.shrui %gather3A_226, %shift_right_logical3A_227 : vector<16xi32>
        %and3A_229 = arith.constant 255 : i32
        %and3A_230 = vector.broadcast %and3A_229 : i32 to vector<16xi32>
        %and3A_231 = arith.andi %shift_right_logical3A_228, %and3A_230 : vector<16xi32>
        %mul3A_232 = arith.constant 16 : i32
        %mul3A_233 = vector.broadcast %mul3A_232 : i32 to vector<16xi32>
        %mul3A_234 = arith.muli %and3A_231, %mul3A_233 : vector<16xi32>
        %add3A_235 = arith.addi %mul3A_234, %iota3A : vector<16xi32>
        %lt3A_236 = vector.broadcast %scan3A_32 : i32 to vector<16xi32>
        %lt3A_237 = arith.cmpi slt, %add3A_225, %lt3A_236 : vector<16xi32>
        tpu.vector_store_idx %arg7[%add3A_235], %broadcast_in_dim3A_1 masked %lt3A_237 {add = true} : memref<4096xi32, #tpu.memory_space<vmem>>[vector<16xi32>], vector<16xi32>, vector<16xi1>
        %while3A_238 = arith.constant 0 : i32
        scf.yield %while3A_238 : i32
      }
      %scan3A_118 = arith.constant 0 : i32
      %scan3A_119 = arith.constant 0 : i32
      %scan3A_120 = arith.constant 256 : i32
      %scan3A_121 = arith.addi %scan3A_119, %scan3A_120 : i32
      %scan3A_122 = arith.constant 1 : i32
      %scan3A_123 = scf.for %scan3A_220 = %scan3A_119 to %scan3A_121 step %scan3A_122 iter_args(%scan3A_221 = %scan3A_118) -> (i32)  : i32 {
        %mul3A_222 = arith.constant 16 : i32
        %mul3A_223 = arith.muli %scan3A_220, %mul3A_222 : i32
        %add3A_224 = vector.broadcast %mul3A_223 : i32 to vector<16xi32>
        %add3A_225 = arith.addi %add3A_224, %iota3A : vector<16xi32>
        %gather3A = tpu.vector_load_idx %arg7[%add3A_225] : memref<4096xi32, #tpu.memory_space<vmem>>[vector<16xi32>], vector<16xi32>,
        %broadcast_in_dim3A_226 = arith.constant true
        %broadcast_in_dim3A_227 = vector.broadcast %broadcast_in_dim3A_226 : i1 to vector<16xi1>
        %masked_cumsum3A = tpu.scan <sum>, %gather3A masked %broadcast_in_dim3A_227 : vector<16xi32>, vector<16xi1> -> vector<16xi32>
        %sub3A_228 = arith.subi %masked_cumsum3A, %gather3A : vector<16xi32>
        %mul3A_229 = arith.constant 16 : i32
        %mul3A_230 = arith.muli %scan3A_220, %mul3A_229 : i32
        %add3A_231 = vector.broadcast %mul3A_230 : i32 to vector<16xi32>
        %add3A_232 = arith.addi %add3A_231, %iota3A : vector<16xi32>
        %add3A_233 = vector.broadcast %scan3A_221 : i32 to vector<16xi32>
        %add3A_234 = arith.addi %add3A_233, %sub3A_228 : vector<16xi32>
        tpu.vector_store_idx %arg8[%add3A_232], %add3A_234 : memref<4096xi32, #tpu.memory_space<vmem>>[vector<16xi32>], vector<16xi32>,
        %reduce_sum3A = arith.constant true
        %reduce_sum3A_235 = vector.broadcast %reduce_sum3A : i1 to vector<16xi1>
        %reduce_sum3A_236 = tpu.scan <sum>, %gather3A masked %reduce_sum3A_235 : vector<16xi32>, vector<16xi1> -> vector<16xi32>
        %reduce_sum3A_237 = vector.extract %reduce_sum3A_236[15] : i32 from vector<16xi32>
        %add3A_238 = arith.addi %scan3A_221, %reduce_sum3A_237 : i32
        scf.yield %add3A_238 : i32
      }
      %scan3A_124 = arith.constant 256 : i32
      %while3A_125 = arith.constant 0 : i32
      %while3A_126 = arith.constant 0 : i32
      %while3A_127 = arith.subi %select_n3A, %while3A_125 : i32
      %while3A_128 = arith.addi %while3A_125, %while3A_127 : i32
      %while3A_129 = arith.constant 1 : i32
      %while3A_130 = arith.divsi %while3A_127, %while3A_129 : i32
      %while3A_131 = arith.muli %while3A_130, %while3A_129 : i32
      %while3A_132 = arith.addi %while3A_125, %while3A_131 : i32
      %while3A_133 = arith.constant 1 : i32
      %while3A_134 = scf.for %while3A_220 = %while3A_125 to %while3A_132 step %while3A_133 iter_args(%while3A_221 = %while3A_126) -> (i32)  : i32 {
        %mul3A_222 = vector.broadcast %select_n3A : i32 to vector<16xi32>
        %mul3A_223 = arith.muli %iota3A, %mul3A_222 : vector<16xi32>
        %add3A_224 = vector.broadcast %while3A_220 : i32 to vector<16xi32>
        %add3A_225 = arith.addi %mul3A_223, %add3A_224 : vector<16xi32>
        %lt3A_226 = vector.broadcast %scan3A_32 : i32 to vector<16xi32>
        %lt3A_227 = arith.cmpi slt, %add3A_225, %lt3A_226 : vector<16xi32>
        %gather3A = tpu.vector_load_idx %arg6[%add3A_225] : memref<32768xi32, #tpu.memory_space<vmem>>[vector<16xi32>], vector<16xi32>,
        %gather3A_228 = tpu.vector_load_idx %arg4[%gather3A] : memref<32768xi32, #tpu.memory_space<vmem>>[vector<16xi32>], vector<16xi32>,
        %shift_right_logical3A = arith.constant 8 : i32
        %shift_right_logical3A_229 = vector.broadcast %shift_right_logical3A : i32 to vector<16xi32>
        %shift_right_logical3A_230 = arith.shrui %gather3A_228, %shift_right_logical3A_229 : vector<16xi32>
        %and3A_231 = arith.constant 255 : i32
        %and3A_232 = vector.broadcast %and3A_231 : i32 to vector<16xi32>
        %and3A_233 = arith.andi %shift_right_logical3A_230, %and3A_232 : vector<16xi32>
        %mul3A_234 = arith.constant 16 : i32
        %mul3A_235 = vector.broadcast %mul3A_234 : i32 to vector<16xi32>
        %mul3A_236 = arith.muli %and3A_233, %mul3A_235 : vector<16xi32>
        %add3A_237 = arith.addi %mul3A_236, %iota3A : vector<16xi32>
        %gather3A_238 = tpu.vector_load_idx %arg8[%add3A_237] : memref<4096xi32, #tpu.memory_space<vmem>>[vector<16xi32>], vector<16xi32>,
        tpu.vector_store_idx %arg5[%gather3A_238], %gather3A masked %lt3A_227 : memref<32768xi32, #tpu.memory_space<vmem>>[vector<16xi32>], vector<16xi32>, vector<16xi1>
        tpu.vector_store_idx %arg8[%add3A_237], %broadcast_in_dim3A_1 masked %lt3A_227 {add = true} : memref<4096xi32, #tpu.memory_space<vmem>>[vector<16xi32>], vector<16xi32>, vector<16xi1>
        %while3A_239 = arith.constant 0 : i32
        scf.yield %while3A_239 : i32
      }
      %while3A_135 = arith.constant 1 : i32
      %while3A_136 = scf.for %while3A_220 = %while3A_132 to %while3A_128 step %while3A_135 iter_args(%while3A_221 = %while3A_134) -> (i32)  : i32 {
        %mul3A_222 = vector.broadcast %select_n3A : i32 to vector<16xi32>
        %mul3A_223 = arith.muli %iota3A, %mul3A_222 : vector<16xi32>
        %add3A_224 = vector.broadcast %while3A_220 : i32 to vector<16xi32>
        %add3A_225 = arith.addi %mul3A_223, %add3A_224 : vector<16xi32>
        %lt3A_226 = vector.broadcast %scan3A_32 : i32 to vector<16xi32>
        %lt3A_227 = arith.cmpi slt, %add3A_225, %lt3A_226 : vector<16xi32>
        %gather3A = tpu.vector_load_idx %arg6[%add3A_225] : memref<32768xi32, #tpu.memory_space<vmem>>[vector<16xi32>], vector<16xi32>,
        %gather3A_228 = tpu.vector_load_idx %arg4[%gather3A] : memref<32768xi32, #tpu.memory_space<vmem>>[vector<16xi32>], vector<16xi32>,
        %shift_right_logical3A = arith.constant 8 : i32
        %shift_right_logical3A_229 = vector.broadcast %shift_right_logical3A : i32 to vector<16xi32>
        %shift_right_logical3A_230 = arith.shrui %gather3A_228, %shift_right_logical3A_229 : vector<16xi32>
        %and3A_231 = arith.constant 255 : i32
        %and3A_232 = vector.broadcast %and3A_231 : i32 to vector<16xi32>
        %and3A_233 = arith.andi %shift_right_logical3A_230, %and3A_232 : vector<16xi32>
        %mul3A_234 = arith.constant 16 : i32
        %mul3A_235 = vector.broadcast %mul3A_234 : i32 to vector<16xi32>
        %mul3A_236 = arith.muli %and3A_233, %mul3A_235 : vector<16xi32>
        %add3A_237 = arith.addi %mul3A_236, %iota3A : vector<16xi32>
        %gather3A_238 = tpu.vector_load_idx %arg8[%add3A_237] : memref<4096xi32, #tpu.memory_space<vmem>>[vector<16xi32>], vector<16xi32>,
        tpu.vector_store_idx %arg5[%gather3A_238], %gather3A masked %lt3A_227 : memref<32768xi32, #tpu.memory_space<vmem>>[vector<16xi32>], vector<16xi32>, vector<16xi1>
        tpu.vector_store_idx %arg8[%add3A_237], %broadcast_in_dim3A_1 masked %lt3A_227 {add = true} : memref<4096xi32, #tpu.memory_space<vmem>>[vector<16xi32>], vector<16xi32>, vector<16xi1>
        %while3A_239 = arith.constant 0 : i32
        scf.yield %while3A_239 : i32
      }
      %scan3A_137 = arith.constant 0 : i32
      %scan3A_138 = arith.constant 0 : i32
      %scan3A_139 = arith.constant 256 : i32
      %scan3A_140 = arith.addi %scan3A_138, %scan3A_139 : i32
      %scan3A_141 = arith.constant 1 : i32
      %scan3A_142 = scf.for %scan3A_220 = %scan3A_138 to %scan3A_140 step %scan3A_141 iter_args(%scan3A_221 = %scan3A_137) -> (i32)  : i32 {
        %mul3A_222 = arith.constant 16 : i32
        %mul3A_223 = arith.muli %scan3A_220, %mul3A_222 : i32
        %add3A_224 = vector.broadcast %mul3A_223 : i32 to vector<16xi32>
        %add3A_225 = arith.addi %add3A_224, %iota3A : vector<16xi32>
        tpu.vector_store_idx %arg7[%add3A_225], %broadcast_in_dim3A_3 : memref<4096xi32, #tpu.memory_space<vmem>>[vector<16xi32>], vector<16xi32>,
        %scan3A_226 = arith.constant 0 : i32
        scf.yield %scan3A_226 : i32
      }
      %scan3A_143 = arith.constant 256 : i32
      %while3A_144 = arith.constant 0 : i32
      %while3A_145 = arith.constant 0 : i32
      %while3A_146 = arith.subi %select_n3A, %while3A_144 : i32
      %while3A_147 = arith.addi %while3A_144, %while3A_146 : i32
      %while3A_148 = arith.constant 1 : i32
      %while3A_149 = arith.divsi %while3A_146, %while3A_148 : i32
      %while3A_150 = arith.muli %while3A_149, %while3A_148 : i32
      %while3A_151 = arith.addi %while3A_144, %while3A_150 : i32
      %while3A_152 = arith.constant 1 : i32
      %while3A_153 = scf.for %while3A_220 = %while3A_144 to %while3A_151 step %while3A_152 iter_args(%while3A_221 = %while3A_145) -> (i32)  : i32 {
        %mul3A_222 = vector.broadcast %select_n3A : i32 to vector<16xi32>
        %mul3A_223 = arith.muli %iota3A, %mul3A_222 : vector<16xi32>
        %add3A_224 = vector.broadcast %while3A_220 : i32 to vector<16xi32>
        %add3A_225 = arith.addi %mul3A_223, %add3A_224 : vector<16xi32>
        %gather3A = tpu.vector_load_idx %arg5[%add3A_225] : memref<32768xi32, #tpu.memory_space<vmem>>[vector<16xi32>], vector<16xi32>,
        %gather3A_226 = tpu.vector_load_idx %arg4[%gather3A] : memref<32768xi32, #tpu.memory_space<vmem>>[vector<16xi32>], vector<16xi32>,
        %shift_right_logical3A = arith.constant 16 : i32
        %shift_right_logical3A_227 = vector.broadcast %shift_right_logical3A : i32 to vector<16xi32>
        %shift_right_logical3A_228 = arith.shrui %gather3A_226, %shift_right_logical3A_227 : vector<16xi32>
        %and3A_229 = arith.constant 255 : i32
        %and3A_230 = vector.broadcast %and3A_229 : i32 to vector<16xi32>
        %and3A_231 = arith.andi %shift_right_logical3A_228, %and3A_230 : vector<16xi32>
        %mul3A_232 = arith.constant 16 : i32
        %mul3A_233 = vector.broadcast %mul3A_232 : i32 to vector<16xi32>
        %mul3A_234 = arith.muli %and3A_231, %mul3A_233 : vector<16xi32>
        %add3A_235 = arith.addi %mul3A_234, %iota3A : vector<16xi32>
        %lt3A_236 = vector.broadcast %scan3A_32 : i32 to vector<16xi32>
        %lt3A_237 = arith.cmpi slt, %add3A_225, %lt3A_236 : vector<16xi32>
        tpu.vector_store_idx %arg7[%add3A_235], %broadcast_in_dim3A_1 masked %lt3A_237 {add = true} : memref<4096xi32, #tpu.memory_space<vmem>>[vector<16xi32>], vector<16xi32>, vector<16xi1>
        %while3A_238 = arith.constant 0 : i32
        scf.yield %while3A_238 : i32
      }
      %while3A_154 = arith.constant 1 : i32
      %while3A_155 = scf.for %while3A_220 = %while3A_151 to %while3A_147 step %while3A_154 iter_args(%while3A_221 = %while3A_153) -> (i32)  : i32 {
        %mul3A_222 = vector.broadcast %select_n3A : i32 to vector<16xi32>
        %mul3A_223 = arith.muli %iota3A, %mul3A_222 : vector<16xi32>
        %add3A_224 = vector.broadcast %while3A_220 : i32 to vector<16xi32>
        %add3A_225 = arith.addi %mul3A_223, %add3A_224 : vector<16xi32>
        %gather3A = tpu.vector_load_idx %arg5[%add3A_225] : memref<32768xi32, #tpu.memory_space<vmem>>[vector<16xi32>], vector<16xi32>,
        %gather3A_226 = tpu.vector_load_idx %arg4[%gather3A] : memref<32768xi32, #tpu.memory_space<vmem>>[vector<16xi32>], vector<16xi32>,
        %shift_right_logical3A = arith.constant 16 : i32
        %shift_right_logical3A_227 = vector.broadcast %shift_right_logical3A : i32 to vector<16xi32>
        %shift_right_logical3A_228 = arith.shrui %gather3A_226, %shift_right_logical3A_227 : vector<16xi32>
        %and3A_229 = arith.constant 255 : i32
        %and3A_230 = vector.broadcast %and3A_229 : i32 to vector<16xi32>
        %and3A_231 = arith.andi %shift_right_logical3A_228, %and3A_230 : vector<16xi32>
        %mul3A_232 = arith.constant 16 : i32
        %mul3A_233 = vector.broadcast %mul3A_232 : i32 to vector<16xi32>
        %mul3A_234 = arith.muli %and3A_231, %mul3A_233 : vector<16xi32>
        %add3A_235 = arith.addi %mul3A_234, %iota3A : vector<16xi32>
        %lt3A_236 = vector.broadcast %scan3A_32 : i32 to vector<16xi32>
        %lt3A_237 = arith.cmpi slt, %add3A_225, %lt3A_236 : vector<16xi32>
        tpu.vector_store_idx %arg7[%add3A_235], %broadcast_in_dim3A_1 masked %lt3A_237 {add = true} : memref<4096xi32, #tpu.memory_space<vmem>>[vector<16xi32>], vector<16xi32>, vector<16xi1>
        %while3A_238 = arith.constant 0 : i32
        scf.yield %while3A_238 : i32
      }
      %scan3A_156 = arith.constant 0 : i32
      %scan3A_157 = arith.constant 0 : i32
      %scan3A_158 = arith.constant 256 : i32
      %scan3A_159 = arith.addi %scan3A_157, %scan3A_158 : i32
      %scan3A_160 = arith.constant 1 : i32
      %scan3A_161 = scf.for %scan3A_220 = %scan3A_157 to %scan3A_159 step %scan3A_160 iter_args(%scan3A_221 = %scan3A_156) -> (i32)  : i32 {
        %mul3A_222 = arith.constant 16 : i32
        %mul3A_223 = arith.muli %scan3A_220, %mul3A_222 : i32
        %add3A_224 = vector.broadcast %mul3A_223 : i32 to vector<16xi32>
        %add3A_225 = arith.addi %add3A_224, %iota3A : vector<16xi32>
        %gather3A = tpu.vector_load_idx %arg7[%add3A_225] : memref<4096xi32, #tpu.memory_space<vmem>>[vector<16xi32>], vector<16xi32>,
        %broadcast_in_dim3A_226 = arith.constant true
        %broadcast_in_dim3A_227 = vector.broadcast %broadcast_in_dim3A_226 : i1 to vector<16xi1>
        %masked_cumsum3A = tpu.scan <sum>, %gather3A masked %broadcast_in_dim3A_227 : vector<16xi32>, vector<16xi1> -> vector<16xi32>
        %sub3A_228 = arith.subi %masked_cumsum3A, %gather3A : vector<16xi32>
        %mul3A_229 = arith.constant 16 : i32
        %mul3A_230 = arith.muli %scan3A_220, %mul3A_229 : i32
        %add3A_231 = vector.broadcast %mul3A_230 : i32 to vector<16xi32>
        %add3A_232 = arith.addi %add3A_231, %iota3A : vector<16xi32>
        %add3A_233 = vector.broadcast %scan3A_221 : i32 to vector<16xi32>
        %add3A_234 = arith.addi %add3A_233, %sub3A_228 : vector<16xi32>
        tpu.vector_store_idx %arg8[%add3A_232], %add3A_234 : memref<4096xi32, #tpu.memory_space<vmem>>[vector<16xi32>], vector<16xi32>,
        %reduce_sum3A = arith.constant true
        %reduce_sum3A_235 = vector.broadcast %reduce_sum3A : i1 to vector<16xi1>
        %reduce_sum3A_236 = tpu.scan <sum>, %gather3A masked %reduce_sum3A_235 : vector<16xi32>, vector<16xi1> -> vector<16xi32>
        %reduce_sum3A_237 = vector.extract %reduce_sum3A_236[15] : i32 from vector<16xi32>
        %add3A_238 = arith.addi %scan3A_221, %reduce_sum3A_237 : i32
        scf.yield %add3A_238 : i32
      }
      %scan3A_162 = arith.constant 256 : i32
      %while3A_163 = arith.constant 0 : i32
      %while3A_164 = arith.constant 0 : i32
      %while3A_165 = arith.subi %select_n3A, %while3A_163 : i32
      %while3A_166 = arith.addi %while3A_163, %while3A_165 : i32
      %while3A_167 = arith.constant 1 : i32
      %while3A_168 = arith.divsi %while3A_165, %while3A_167 : i32
      %while3A_169 = arith.muli %while3A_168, %while3A_167 : i32
      %while3A_170 = arith.addi %while3A_163, %while3A_169 : i32
      %while3A_171 = arith.constant 1 : i32
      %while3A_172 = scf.for %while3A_220 = %while3A_163 to %while3A_170 step %while3A_171 iter_args(%while3A_221 = %while3A_164) -> (i32)  : i32 {
        %mul3A_222 = vector.broadcast %select_n3A : i32 to vector<16xi32>
        %mul3A_223 = arith.muli %iota3A, %mul3A_222 : vector<16xi32>
        %add3A_224 = vector.broadcast %while3A_220 : i32 to vector<16xi32>
        %add3A_225 = arith.addi %mul3A_223, %add3A_224 : vector<16xi32>
        %lt3A_226 = vector.broadcast %scan3A_32 : i32 to vector<16xi32>
        %lt3A_227 = arith.cmpi slt, %add3A_225, %lt3A_226 : vector<16xi32>
        %gather3A = tpu.vector_load_idx %arg5[%add3A_225] : memref<32768xi32, #tpu.memory_space<vmem>>[vector<16xi32>], vector<16xi32>,
        %gather3A_228 = tpu.vector_load_idx %arg4[%gather3A] : memref<32768xi32, #tpu.memory_space<vmem>>[vector<16xi32>], vector<16xi32>,
        %shift_right_logical3A = arith.constant 16 : i32
        %shift_right_logical3A_229 = vector.broadcast %shift_right_logical3A : i32 to vector<16xi32>
        %shift_right_logical3A_230 = arith.shrui %gather3A_228, %shift_right_logical3A_229 : vector<16xi32>
        %and3A_231 = arith.constant 255 : i32
        %and3A_232 = vector.broadcast %and3A_231 : i32 to vector<16xi32>
        %and3A_233 = arith.andi %shift_right_logical3A_230, %and3A_232 : vector<16xi32>
        %mul3A_234 = arith.constant 16 : i32
        %mul3A_235 = vector.broadcast %mul3A_234 : i32 to vector<16xi32>
        %mul3A_236 = arith.muli %and3A_233, %mul3A_235 : vector<16xi32>
        %add3A_237 = arith.addi %mul3A_236, %iota3A : vector<16xi32>
        %gather3A_238 = tpu.vector_load_idx %arg8[%add3A_237] : memref<4096xi32, #tpu.memory_space<vmem>>[vector<16xi32>], vector<16xi32>,
        tpu.vector_store_idx %arg6[%gather3A_238], %gather3A masked %lt3A_227 : memref<32768xi32, #tpu.memory_space<vmem>>[vector<16xi32>], vector<16xi32>, vector<16xi1>
        tpu.vector_store_idx %arg8[%add3A_237], %broadcast_in_dim3A_1 masked %lt3A_227 {add = true} : memref<4096xi32, #tpu.memory_space<vmem>>[vector<16xi32>], vector<16xi32>, vector<16xi1>
        %while3A_239 = arith.constant 0 : i32
        scf.yield %while3A_239 : i32
      }
      %while3A_173 = arith.constant 1 : i32
      %while3A_174 = scf.for %while3A_220 = %while3A_170 to %while3A_166 step %while3A_173 iter_args(%while3A_221 = %while3A_172) -> (i32)  : i32 {
        %mul3A_222 = vector.broadcast %select_n3A : i32 to vector<16xi32>
        %mul3A_223 = arith.muli %iota3A, %mul3A_222 : vector<16xi32>
        %add3A_224 = vector.broadcast %while3A_220 : i32 to vector<16xi32>
        %add3A_225 = arith.addi %mul3A_223, %add3A_224 : vector<16xi32>
        %lt3A_226 = vector.broadcast %scan3A_32 : i32 to vector<16xi32>
        %lt3A_227 = arith.cmpi slt, %add3A_225, %lt3A_226 : vector<16xi32>
        %gather3A = tpu.vector_load_idx %arg5[%add3A_225] : memref<32768xi32, #tpu.memory_space<vmem>>[vector<16xi32>], vector<16xi32>,
        %gather3A_228 = tpu.vector_load_idx %arg4[%gather3A] : memref<32768xi32, #tpu.memory_space<vmem>>[vector<16xi32>], vector<16xi32>,
        %shift_right_logical3A = arith.constant 16 : i32
        %shift_right_logical3A_229 = vector.broadcast %shift_right_logical3A : i32 to vector<16xi32>
        %shift_right_logical3A_230 = arith.shrui %gather3A_228, %shift_right_logical3A_229 : vector<16xi32>
        %and3A_231 = arith.constant 255 : i32
        %and3A_232 = vector.broadcast %and3A_231 : i32 to vector<16xi32>
        %and3A_233 = arith.andi %shift_right_logical3A_230, %and3A_232 : vector<16xi32>
        %mul3A_234 = arith.constant 16 : i32
        %mul3A_235 = vector.broadcast %mul3A_234 : i32 to vector<16xi32>
        %mul3A_236 = arith.muli %and3A_233, %mul3A_235 : vector<16xi32>
        %add3A_237 = arith.addi %mul3A_236, %iota3A : vector<16xi32>
        %gather3A_238 = tpu.vector_load_idx %arg8[%add3A_237] : memref<4096xi32, #tpu.memory_space<vmem>>[vector<16xi32>], vector<16xi32>,
        tpu.vector_store_idx %arg6[%gather3A_238], %gather3A masked %lt3A_227 : memref<32768xi32, #tpu.memory_space<vmem>>[vector<16xi32>], vector<16xi32>, vector<16xi1>
        tpu.vector_store_idx %arg8[%add3A_237], %broadcast_in_dim3A_1 masked %lt3A_227 {add = true} : memref<4096xi32, #tpu.memory_space<vmem>>[vector<16xi32>], vector<16xi32>, vector<16xi1>
        %while3A_239 = arith.constant 0 : i32
        scf.yield %while3A_239 : i32
      }
      %scan3A_175 = arith.constant 0 : i32
      %scan3A_176 = arith.constant 0 : i32
      %scan3A_177 = arith.constant 256 : i32
      %scan3A_178 = arith.addi %scan3A_176, %scan3A_177 : i32
      %scan3A_179 = arith.constant 1 : i32
      %scan3A_180 = scf.for %scan3A_220 = %scan3A_176 to %scan3A_178 step %scan3A_179 iter_args(%scan3A_221 = %scan3A_175) -> (i32)  : i32 {
        %mul3A_222 = arith.constant 16 : i32
        %mul3A_223 = arith.muli %scan3A_220, %mul3A_222 : i32
        %add3A_224 = vector.broadcast %mul3A_223 : i32 to vector<16xi32>
        %add3A_225 = arith.addi %add3A_224, %iota3A : vector<16xi32>
        tpu.vector_store_idx %arg7[%add3A_225], %broadcast_in_dim3A_3 : memref<4096xi32, #tpu.memory_space<vmem>>[vector<16xi32>], vector<16xi32>,
        %scan3A_226 = arith.constant 0 : i32
        scf.yield %scan3A_226 : i32
      }
      %scan3A_181 = arith.constant 256 : i32
      %while3A_182 = arith.constant 0 : i32
      %while3A_183 = arith.constant 0 : i32
      %while3A_184 = arith.subi %select_n3A, %while3A_182 : i32
      %while3A_185 = arith.addi %while3A_182, %while3A_184 : i32
      %while3A_186 = arith.constant 1 : i32
      %while3A_187 = arith.divsi %while3A_184, %while3A_186 : i32
      %while3A_188 = arith.muli %while3A_187, %while3A_186 : i32
      %while3A_189 = arith.addi %while3A_182, %while3A_188 : i32
      %while3A_190 = arith.constant 1 : i32
      %while3A_191 = scf.for %while3A_220 = %while3A_182 to %while3A_189 step %while3A_190 iter_args(%while3A_221 = %while3A_183) -> (i32)  : i32 {
        %mul3A_222 = vector.broadcast %select_n3A : i32 to vector<16xi32>
        %mul3A_223 = arith.muli %iota3A, %mul3A_222 : vector<16xi32>
        %add3A_224 = vector.broadcast %while3A_220 : i32 to vector<16xi32>
        %add3A_225 = arith.addi %mul3A_223, %add3A_224 : vector<16xi32>
        %gather3A = tpu.vector_load_idx %arg6[%add3A_225] : memref<32768xi32, #tpu.memory_space<vmem>>[vector<16xi32>], vector<16xi32>,
        %gather3A_226 = tpu.vector_load_idx %arg4[%gather3A] : memref<32768xi32, #tpu.memory_space<vmem>>[vector<16xi32>], vector<16xi32>,
        %shift_right_logical3A = arith.constant 24 : i32
        %shift_right_logical3A_227 = vector.broadcast %shift_right_logical3A : i32 to vector<16xi32>
        %shift_right_logical3A_228 = arith.shrui %gather3A_226, %shift_right_logical3A_227 : vector<16xi32>
        %and3A_229 = arith.constant 255 : i32
        %and3A_230 = vector.broadcast %and3A_229 : i32 to vector<16xi32>
        %and3A_231 = arith.andi %shift_right_logical3A_228, %and3A_230 : vector<16xi32>
        %mul3A_232 = arith.constant 16 : i32
        %mul3A_233 = vector.broadcast %mul3A_232 : i32 to vector<16xi32>
        %mul3A_234 = arith.muli %and3A_231, %mul3A_233 : vector<16xi32>
        %add3A_235 = arith.addi %mul3A_234, %iota3A : vector<16xi32>
        %lt3A_236 = vector.broadcast %scan3A_32 : i32 to vector<16xi32>
        %lt3A_237 = arith.cmpi slt, %add3A_225, %lt3A_236 : vector<16xi32>
        tpu.vector_store_idx %arg7[%add3A_235], %broadcast_in_dim3A_1 masked %lt3A_237 {add = true} : memref<4096xi32, #tpu.memory_space<vmem>>[vector<16xi32>], vector<16xi32>, vector<16xi1>
        %while3A_238 = arith.constant 0 : i32
        scf.yield %while3A_238 : i32
      }
      %while3A_192 = arith.constant 1 : i32
      %while3A_193 = scf.for %while3A_220 = %while3A_189 to %while3A_185 step %while3A_192 iter_args(%while3A_221 = %while3A_191) -> (i32)  : i32 {
        %mul3A_222 = vector.broadcast %select_n3A : i32 to vector<16xi32>
        %mul3A_223 = arith.muli %iota3A, %mul3A_222 : vector<16xi32>
        %add3A_224 = vector.broadcast %while3A_220 : i32 to vector<16xi32>
        %add3A_225 = arith.addi %mul3A_223, %add3A_224 : vector<16xi32>
        %gather3A = tpu.vector_load_idx %arg6[%add3A_225] : memref<32768xi32, #tpu.memory_space<vmem>>[vector<16xi32>], vector<16xi32>,
        %gather3A_226 = tpu.vector_load_idx %arg4[%gather3A] : memref<32768xi32, #tpu.memory_space<vmem>>[vector<16xi32>], vector<16xi32>,
        %shift_right_logical3A = arith.constant 24 : i32
        %shift_right_logical3A_227 = vector.broadcast %shift_right_logical3A : i32 to vector<16xi32>
        %shift_right_logical3A_228 = arith.shrui %gather3A_226, %shift_right_logical3A_227 : vector<16xi32>
        %and3A_229 = arith.constant 255 : i32
        %and3A_230 = vector.broadcast %and3A_229 : i32 to vector<16xi32>
        %and3A_231 = arith.andi %shift_right_logical3A_228, %and3A_230 : vector<16xi32>
        %mul3A_232 = arith.constant 16 : i32
        %mul3A_233 = vector.broadcast %mul3A_232 : i32 to vector<16xi32>
        %mul3A_234 = arith.muli %and3A_231, %mul3A_233 : vector<16xi32>
        %add3A_235 = arith.addi %mul3A_234, %iota3A : vector<16xi32>
        %lt3A_236 = vector.broadcast %scan3A_32 : i32 to vector<16xi32>
        %lt3A_237 = arith.cmpi slt, %add3A_225, %lt3A_236 : vector<16xi32>
        tpu.vector_store_idx %arg7[%add3A_235], %broadcast_in_dim3A_1 masked %lt3A_237 {add = true} : memref<4096xi32, #tpu.memory_space<vmem>>[vector<16xi32>], vector<16xi32>, vector<16xi1>
        %while3A_238 = arith.constant 0 : i32
        scf.yield %while3A_238 : i32
      }
      %scan3A_194 = arith.constant 0 : i32
      %scan3A_195 = arith.constant 0 : i32
      %scan3A_196 = arith.constant 256 : i32
      %scan3A_197 = arith.addi %scan3A_195, %scan3A_196 : i32
      %scan3A_198 = arith.constant 1 : i32
      %scan3A_199 = scf.for %scan3A_220 = %scan3A_195 to %scan3A_197 step %scan3A_198 iter_args(%scan3A_221 = %scan3A_194) -> (i32)  : i32 {
        %mul3A_222 = arith.constant 16 : i32
        %mul3A_223 = arith.muli %scan3A_220, %mul3A_222 : i32
        %add3A_224 = vector.broadcast %mul3A_223 : i32 to vector<16xi32>
        %add3A_225 = arith.addi %add3A_224, %iota3A : vector<16xi32>
        %gather3A = tpu.vector_load_idx %arg7[%add3A_225] : memref<4096xi32, #tpu.memory_space<vmem>>[vector<16xi32>], vector<16xi32>,
        %broadcast_in_dim3A_226 = arith.constant true
        %broadcast_in_dim3A_227 = vector.broadcast %broadcast_in_dim3A_226 : i1 to vector<16xi1>
        %masked_cumsum3A = tpu.scan <sum>, %gather3A masked %broadcast_in_dim3A_227 : vector<16xi32>, vector<16xi1> -> vector<16xi32>
        %sub3A_228 = arith.subi %masked_cumsum3A, %gather3A : vector<16xi32>
        %mul3A_229 = arith.constant 16 : i32
        %mul3A_230 = arith.muli %scan3A_220, %mul3A_229 : i32
        %add3A_231 = vector.broadcast %mul3A_230 : i32 to vector<16xi32>
        %add3A_232 = arith.addi %add3A_231, %iota3A : vector<16xi32>
        %add3A_233 = vector.broadcast %scan3A_221 : i32 to vector<16xi32>
        %add3A_234 = arith.addi %add3A_233, %sub3A_228 : vector<16xi32>
        tpu.vector_store_idx %arg8[%add3A_232], %add3A_234 : memref<4096xi32, #tpu.memory_space<vmem>>[vector<16xi32>], vector<16xi32>,
        %reduce_sum3A = arith.constant true
        %reduce_sum3A_235 = vector.broadcast %reduce_sum3A : i1 to vector<16xi1>
        %reduce_sum3A_236 = tpu.scan <sum>, %gather3A masked %reduce_sum3A_235 : vector<16xi32>, vector<16xi1> -> vector<16xi32>
        %reduce_sum3A_237 = vector.extract %reduce_sum3A_236[15] : i32 from vector<16xi32>
        %add3A_238 = arith.addi %scan3A_221, %reduce_sum3A_237 : i32
        scf.yield %add3A_238 : i32
      }
      %scan3A_200 = arith.constant 256 : i32
      %while3A_201 = arith.constant 0 : i32
      %while3A_202 = arith.constant 0 : i32
      %while3A_203 = arith.subi %select_n3A, %while3A_201 : i32
      %while3A_204 = arith.addi %while3A_201, %while3A_203 : i32
      %while3A_205 = arith.constant 1 : i32
      %while3A_206 = arith.divsi %while3A_203, %while3A_205 : i32
      %while3A_207 = arith.muli %while3A_206, %while3A_205 : i32
      %while3A_208 = arith.addi %while3A_201, %while3A_207 : i32
      %while3A_209 = arith.constant 1 : i32
      %while3A_210 = scf.for %while3A_220 = %while3A_201 to %while3A_208 step %while3A_209 iter_args(%while3A_221 = %while3A_202) -> (i32)  : i32 {
        %mul3A_222 = vector.broadcast %select_n3A : i32 to vector<16xi32>
        %mul3A_223 = arith.muli %iota3A, %mul3A_222 : vector<16xi32>
        %add3A_224 = vector.broadcast %while3A_220 : i32 to vector<16xi32>
        %add3A_225 = arith.addi %mul3A_223, %add3A_224 : vector<16xi32>
        %lt3A_226 = vector.broadcast %scan3A_32 : i32 to vector<16xi32>
        %lt3A_227 = arith.cmpi slt, %add3A_225, %lt3A_226 : vector<16xi32>
        %gather3A = tpu.vector_load_idx %arg6[%add3A_225] : memref<32768xi32, #tpu.memory_space<vmem>>[vector<16xi32>], vector<16xi32>,
        %gather3A_228 = tpu.vector_load_idx %arg4[%gather3A] : memref<32768xi32, #tpu.memory_space<vmem>>[vector<16xi32>], vector<16xi32>,
        %shift_right_logical3A = arith.constant 24 : i32
        %shift_right_logical3A_229 = vector.broadcast %shift_right_logical3A : i32 to vector<16xi32>
        %shift_right_logical3A_230 = arith.shrui %gather3A_228, %shift_right_logical3A_229 : vector<16xi32>
        %and3A_231 = arith.constant 255 : i32
        %and3A_232 = vector.broadcast %and3A_231 : i32 to vector<16xi32>
        %and3A_233 = arith.andi %shift_right_logical3A_230, %and3A_232 : vector<16xi32>
        %mul3A_234 = arith.constant 16 : i32
        %mul3A_235 = vector.broadcast %mul3A_234 : i32 to vector<16xi32>
        %mul3A_236 = arith.muli %and3A_233, %mul3A_235 : vector<16xi32>
        %add3A_237 = arith.addi %mul3A_236, %iota3A : vector<16xi32>
        %gather3A_238 = tpu.vector_load_idx %arg8[%add3A_237] : memref<4096xi32, #tpu.memory_space<vmem>>[vector<16xi32>], vector<16xi32>,
        tpu.vector_store_idx %arg5[%gather3A_238], %gather3A masked %lt3A_227 : memref<32768xi32, #tpu.memory_space<vmem>>[vector<16xi32>], vector<16xi32>, vector<16xi1>
        tpu.vector_store_idx %arg8[%add3A_237], %broadcast_in_dim3A_1 masked %lt3A_227 {add = true} : memref<4096xi32, #tpu.memory_space<vmem>>[vector<16xi32>], vector<16xi32>, vector<16xi1>
        %while3A_239 = arith.constant 0 : i32
        scf.yield %while3A_239 : i32
      }
      %while3A_211 = arith.constant 1 : i32
      %while3A_212 = scf.for %while3A_220 = %while3A_208 to %while3A_204 step %while3A_211 iter_args(%while3A_221 = %while3A_210) -> (i32)  : i32 {
        %mul3A_222 = vector.broadcast %select_n3A : i32 to vector<16xi32>
        %mul3A_223 = arith.muli %iota3A, %mul3A_222 : vector<16xi32>
        %add3A_224 = vector.broadcast %while3A_220 : i32 to vector<16xi32>
        %add3A_225 = arith.addi %mul3A_223, %add3A_224 : vector<16xi32>
        %lt3A_226 = vector.broadcast %scan3A_32 : i32 to vector<16xi32>
        %lt3A_227 = arith.cmpi slt, %add3A_225, %lt3A_226 : vector<16xi32>
        %gather3A = tpu.vector_load_idx %arg6[%add3A_225] : memref<32768xi32, #tpu.memory_space<vmem>>[vector<16xi32>], vector<16xi32>,
        %gather3A_228 = tpu.vector_load_idx %arg4[%gather3A] : memref<32768xi32, #tpu.memory_space<vmem>>[vector<16xi32>], vector<16xi32>,
        %shift_right_logical3A = arith.constant 24 : i32
        %shift_right_logical3A_229 = vector.broadcast %shift_right_logical3A : i32 to vector<16xi32>
        %shift_right_logical3A_230 = arith.shrui %gather3A_228, %shift_right_logical3A_229 : vector<16xi32>
        %and3A_231 = arith.constant 255 : i32
        %and3A_232 = vector.broadcast %and3A_231 : i32 to vector<16xi32>
        %and3A_233 = arith.andi %shift_right_logical3A_230, %and3A_232 : vector<16xi32>
        %mul3A_234 = arith.constant 16 : i32
        %mul3A_235 = vector.broadcast %mul3A_234 : i32 to vector<16xi32>
        %mul3A_236 = arith.muli %and3A_233, %mul3A_235 : vector<16xi32>
        %add3A_237 = arith.addi %mul3A_236, %iota3A : vector<16xi32>
        %gather3A_238 = tpu.vector_load_idx %arg8[%add3A_237] : memref<4096xi32, #tpu.memory_space<vmem>>[vector<16xi32>], vector<16xi32>,
        tpu.vector_store_idx %arg5[%gather3A_238], %gather3A masked %lt3A_227 : memref<32768xi32, #tpu.memory_space<vmem>>[vector<16xi32>], vector<16xi32>, vector<16xi1>
        tpu.vector_store_idx %arg8[%add3A_237], %broadcast_in_dim3A_1 masked %lt3A_227 {add = true} : memref<4096xi32, #tpu.memory_space<vmem>>[vector<16xi32>], vector<16xi32>, vector<16xi1>
        %while3A_239 = arith.constant 0 : i32
        scf.yield %while3A_239 : i32
      }
      %scan3A_213 = arith.constant 0 : i32
      %scan3A_214 = arith.constant 0 : i32
      %scan3A_215 = arith.constant 128 : i32
      %scan3A_216 = arith.addi %scan3A_214, %scan3A_215 : i32
      %scan3A_217 = arith.constant 1 : i32
      %scan3A_218 = scf.for %scan3A_220 = %scan3A_214 to %scan3A_216 step %scan3A_217 iter_args(%scan3A_221 = %scan3A_213) -> (i32)  : i32 {
        %mul3A_222 = arith.constant 16 : i32
        %mul3A_223 = arith.muli %scan3A_220, %mul3A_222 : i32
        %add3A_224 = vector.broadcast %mul3A_223 : i32 to vector<16xi32>
        %add3A_225 = arith.addi %add3A_224, %iota3A : vector<16xi32>
        %gather3A = tpu.vector_load_idx %arg5[%add3A_225] : memref<32768xi32, #tpu.memory_space<vmem>>[vector<16xi32>], vector<16xi32>,
        %mul3A_226 = arith.constant 16 : i32
        %mul3A_227 = arith.muli %scan3A_220, %mul3A_226 : i32
        %add3A_228 = vector.broadcast %mul3A_227 : i32 to vector<16xi32>
        %add3A_229 = arith.addi %add3A_228, %iota3A : vector<16xi32>
        %mul3A_230 = arith.constant 32768 : i32
        %mul3A_231 = arith.muli %add3A, %mul3A_230 : i32
        %add3A_232 = vector.broadcast %mul3A_231 : i32 to vector<16xi32>
        %add3A_233 = arith.addi %gather3A, %add3A_232 : vector<16xi32>
        tpu.vector_store_idx %arg6[%add3A_229], %add3A_233 : memref<32768xi32, #tpu.memory_space<vmem>>[vector<16xi32>], vector<16xi32>,
        %scan3A_234 = arith.constant 0 : i32
        scf.yield %scan3A_234 : i32
      }
      %scan3A_219 = arith.constant 128 : i32
      "tpu.region"() ({
        %run_scoped3A = tpu.sem_alloc : memref<!tpu.dma_semaphore, #tpu.memory_space<semaphore_mem>>
        %dma_start3A = arith.constant 0 : i32
        %dma_start3A_220 = tpu.memref_slice %arg6[%dma_start3A] : memref<32768xi32, #tpu.memory_space<vmem>> -> memref<2048xi32, #tpu.memory_space<vmem>>
        %dma_start3A_221 = arith.constant 0 : i32
        %dma_start3A_222 = tpu.memref_slice %arg3[%add3A, %dma_start3A_221] : memref<8x2048xi32, #tpu.memory_space<hbm>> -> memref<1x2048xi32, #tpu.memory_space<hbm>>
        %dma_start3A_223 = tpu.memref_squeeze %dma_start3A_222 : memref<1x2048xi32, #tpu.memory_space<hbm>> -> memref<2048xi32, #tpu.memory_space<hbm>>
        %dma_start3A_224 = arith.constant 0 : i32
        %dma_start3A_225 = tpu.memref_slice %arg3[%add3A, %dma_start3A_224] : memref<8x2048xi32, #tpu.memory_space<hbm>> -> memref<1x2048xi32, #tpu.memory_space<hbm>>
        %dma_start3A_226 = tpu.memref_squeeze %dma_start3A_225 : memref<1x2048xi32, #tpu.memory_space<hbm>> -> memref<2048xi32, #tpu.memory_space<hbm>>
        %dma_start3A_227 = arith.constant 0 : i32
        %dma_start3A_228 = tpu.memref_slice %arg6[%dma_start3A_227] : memref<32768xi32, #tpu.memory_space<vmem>> -> memref<2048xi32, #tpu.memory_space<vmem>>
        tpu.enqueue_dma source(%dma_start3A_228 : memref<2048xi32, #tpu.memory_space<vmem>>) target(%dma_start3A_226 : memref<2048xi32, #tpu.memory_space<hbm>>) target_semaphore(%run_scoped3A : memref<!tpu.dma_semaphore, #tpu.memory_space<semaphore_mem>>)
        %dma_wait3A = arith.constant 0 : i32
        %dma_wait3A_229 = tpu.memref_slice %arg6[%dma_wait3A] : memref<32768xi32, #tpu.memory_space<vmem>> -> memref<2048xi32, #tpu.memory_space<vmem>>
        %dma_wait3A_230 = arith.constant 0 : i32
        %dma_wait3A_231 = tpu.memref_slice %arg3[%add3A, %dma_wait3A_230] : memref<8x2048xi32, #tpu.memory_space<hbm>> -> memref<1x2048xi32, #tpu.memory_space<hbm>>
        %dma_wait3A_232 = tpu.memref_squeeze %dma_wait3A_231 : memref<1x2048xi32, #tpu.memory_space<hbm>> -> memref<2048xi32, #tpu.memory_space<hbm>>
        %dma_wait3A_233 = arith.constant 0 : i32
        %dma_wait3A_234 = tpu.memref_slice %arg3[%add3A, %dma_wait3A_233] : memref<8x2048xi32, #tpu.memory_space<hbm>> -> memref<1x2048xi32, #tpu.memory_space<hbm>>
        %dma_wait3A_235 = tpu.memref_squeeze %dma_wait3A_234 : memref<1x2048xi32, #tpu.memory_space<hbm>> -> memref<2048xi32, #tpu.memory_space<hbm>>
        %dma_wait3A_236 = arith.constant 0 : i32
        %dma_wait3A_237 = tpu.memref_slice %arg6[%dma_wait3A_236] : memref<32768xi32, #tpu.memory_space<vmem>> -> memref<2048xi32, #tpu.memory_space<vmem>>
        tpu.wait_dma2 semaphore(%run_scoped3A : memref<!tpu.dma_semaphore, #tpu.memory_space<semaphore_mem>>) src(%dma_wait3A_237 : memref<2048xi32, #tpu.memory_space<vmem>>) dst(%dma_wait3A_235 : memref<2048xi32, #tpu.memory_space<hbm>>)
        tpu.yield
      }) : () -> ()
    } else {
    }
    return
  }
}

#map = affine_map<(d0, d1) -> (0)>
#map1 = affine_map<(d0, d1) -> (0, 0)>
module attributes {stable_mosaic.version = 14 : i64} {
  func.func @k(%arg0: i32, %arg1: i32, %arg2: memref<16384xi32, #tpu.memory_space<hbm>>, %arg3: memref<262144x128xf32, #tpu.memory_space<hbm>>, %arg4: memref<16384x128xf32, #tpu.memory_space<hbm>>, %arg5: memref<512xi32, #tpu.memory_space<vmem>>, %arg6: memref<512x128xf32, #tpu.memory_space<vmem>>, %arg7: memref<!tpu.dma_semaphore, #tpu.memory_space<semaphore_mem>>) attributes {dimension_semantics = [#tpu.dimension_semantics<core_parallel>, #tpu.dimension_semantics<subcore_parallel>], iteration_bounds = array<i64: 2, 16>, scalar_prefetch = 0 : i64, scratch_operands = 3 : i64, tpu.core_type = #tpu.core_type<sc_vector_subcore>, window_params = [{transform_indices = #map}, {transform_indices = #map1}, {transform_indices = #map1}]} {
    %mul3A = arith.constant 2 : i32
    %mul3A_0 = arith.muli %arg1, %mul3A : i32
    %add3A = arith.addi %mul3A_0, %arg0 : i32
    %mul3A_1 = arith.constant 512 : i32
    %mul3A_2 = arith.muli %add3A, %mul3A_1 : i32
    "tpu.region"() ({
      %run_scoped3A = tpu.sem_alloc : memref<!tpu.dma_semaphore, #tpu.memory_space<semaphore_mem>>
      %dma_start3A_7 = tpu.memref_slice %arg2[%mul3A_2] : memref<16384xi32, #tpu.memory_space<hbm>> -> memref<512xi32, #tpu.memory_space<hbm>>
      %dma_start3A_8 = tpu.memref_slice %arg2[%mul3A_2] : memref<16384xi32, #tpu.memory_space<hbm>> -> memref<512xi32, #tpu.memory_space<hbm>>
      tpu.enqueue_dma source(%dma_start3A_8 : memref<512xi32, #tpu.memory_space<hbm>>) target(%arg5 : memref<512xi32, #tpu.memory_space<vmem>>) target_semaphore(%run_scoped3A : memref<!tpu.dma_semaphore, #tpu.memory_space<semaphore_mem>>)
      %dma_wait3A_9 = tpu.memref_slice %arg2[%mul3A_2] : memref<16384xi32, #tpu.memory_space<hbm>> -> memref<512xi32, #tpu.memory_space<hbm>>
      %dma_wait3A_10 = tpu.memref_slice %arg2[%mul3A_2] : memref<16384xi32, #tpu.memory_space<hbm>> -> memref<512xi32, #tpu.memory_space<hbm>>
      tpu.wait_dma2 semaphore(%run_scoped3A : memref<!tpu.dma_semaphore, #tpu.memory_space<semaphore_mem>>) src(%dma_wait3A_10 : memref<512xi32, #tpu.memory_space<hbm>>) dst(%arg5 : memref<512xi32, #tpu.memory_space<vmem>>)
      tpu.yield
    }) : () -> ()
    %dma_start3A = arith.constant 0 : i32
    %dma_start3A_3 = arith.constant 0 : i32
    %dma_start3A_4 = tpu.memref_slice %arg3[%dma_start3A, %dma_start3A_3] : memref<262144x128xf32, #tpu.memory_space<hbm>> -> memref<262144x128xf32, #tpu.memory_space<hbm>>
    tpu.enqueue_indirect_dma source(%dma_start3A_4 : memref<262144x128xf32, #tpu.memory_space<hbm>>) target(%arg6 : memref<512x128xf32, #tpu.memory_space<vmem>>) offsets(%arg5 : memref<512xi32, #tpu.memory_space<vmem>>) semaphore(%arg7 : memref<!tpu.dma_semaphore, #tpu.memory_space<semaphore_mem>>)
    %dma_wait3A = arith.constant 0 : i32
    %dma_wait3A_5 = arith.constant 0 : i32
    %dma_wait3A_6 = tpu.memref_slice %arg3[%dma_wait3A, %dma_wait3A_5] : memref<262144x128xf32, #tpu.memory_space<hbm>> -> memref<262144x128xf32, #tpu.memory_space<hbm>>
    tpu.wait_indirect_dma semaphore(%arg7 : memref<!tpu.dma_semaphore, #tpu.memory_space<semaphore_mem>>) src(%dma_wait3A_6 : memref<262144x128xf32, #tpu.memory_space<hbm>>) dst(%arg6 : memref<512x128xf32, #tpu.memory_space<vmem>>)
    "tpu.region"() ({
      %run_scoped3A = tpu.sem_alloc : memref<!tpu.dma_semaphore, #tpu.memory_space<semaphore_mem>>
      %dma_start3A_7 = arith.constant 0 : i32
      %dma_start3A_8 = tpu.memref_slice %arg4[%mul3A_2, %dma_start3A_7] : memref<16384x128xf32, #tpu.memory_space<hbm>> -> memref<512x128xf32, #tpu.memory_space<hbm>>
      %dma_start3A_9 = arith.constant 0 : i32
      %dma_start3A_10 = tpu.memref_slice %arg4[%mul3A_2, %dma_start3A_9] : memref<16384x128xf32, #tpu.memory_space<hbm>> -> memref<512x128xf32, #tpu.memory_space<hbm>>
      tpu.enqueue_dma source(%arg6 : memref<512x128xf32, #tpu.memory_space<vmem>>) target(%dma_start3A_10 : memref<512x128xf32, #tpu.memory_space<hbm>>) target_semaphore(%run_scoped3A : memref<!tpu.dma_semaphore, #tpu.memory_space<semaphore_mem>>)
      %dma_wait3A_11 = arith.constant 0 : i32
      %dma_wait3A_12 = tpu.memref_slice %arg4[%mul3A_2, %dma_wait3A_11] : memref<16384x128xf32, #tpu.memory_space<hbm>> -> memref<512x128xf32, #tpu.memory_space<hbm>>
      %dma_wait3A_13 = arith.constant 0 : i32
      %dma_wait3A_14 = tpu.memref_slice %arg4[%mul3A_2, %dma_wait3A_13] : memref<16384x128xf32, #tpu.memory_space<hbm>> -> memref<512x128xf32, #tpu.memory_space<hbm>>
      tpu.wait_dma2 semaphore(%run_scoped3A : memref<!tpu.dma_semaphore, #tpu.memory_space<semaphore_mem>>) src(%arg6 : memref<512x128xf32, #tpu.memory_space<vmem>>) dst(%dma_wait3A_14 : memref<512x128xf32, #tpu.memory_space<hbm>>)
      tpu.yield
    }) : () -> ()
    return
  }
}

module attributes {stable_mosaic.version = 14 : i64} {
  func.func @_score_t_body(%arg0: i32, %arg1: memref<1xf32, #tpu.memory_space<smem>>, %arg2: memref<1x128x2048xf32, #tpu.memory_space<vmem>>, %arg3: memref<1x128xf32, #tpu.memory_space<vmem>>, %arg4: memref<128x128xf32, #tpu.memory_space<vmem>>, %arg5: memref<1x1x2048xi32, #tpu.memory_space<vmem>>, %arg6: memref<1x2048x128xf32, #tpu.memory_space<vmem>>) attributes {dimension_semantics = [#tpu.dimension_semantics<arbitrary>], iteration_bounds = array<i64: 128>, scalar_prefetch = 0 : i64, scratch_operands = 0 : i64, tpu.core_type = #tpu.core_type<tc>, window_params = [{transform_indices = @transform_0, window_bounds = array<i64: 1>}, {transform_indices = @transform_1, window_bounds = array<i64: 1, 128, 2048>}, {pipeline_mode = #tpu.pipeline_mode<synchronous>, transform_indices = @transform_2, window_bounds = array<i64: 1, 128>}, {pipeline_mode = #tpu.pipeline_mode<synchronous>, transform_indices = @transform_3, window_bounds = array<i64: 128, 128>}, {transform_indices = @transform_4, window_bounds = array<i64: 1, 1, 2048>}, {transform_indices = @transform_5, window_bounds = array<i64: 1, 2048, 128>}]} {
    %get3A = arith.constant 0 : index
    %get3A_0 = arith.constant 0 : index
    %get3A_1 = arith.constant 0 : index
    %get3A_2 = vector.load %arg2[%get3A, %get3A_0, %get3A_1] : memref<1x128x2048xf32, #tpu.memory_space<vmem>>, vector<1x128x2048xf32>
    %get3A_3 = vector.shape_cast %get3A_2 : vector<1x128x2048xf32> to vector<128x2048xf32>
    %get3A_4 = arith.constant 0 : index
    %get3A_5 = arith.constant 0 : index
    %get3A_6 = vector.load %arg3[%get3A_4, %get3A_5] : memref<1x128xf32, #tpu.memory_space<vmem>>, vector<1x128xf32>
    %dot_general3A = arith.constant dense<0.000000e+00> : vector<1x2048xf32>
    %dot_general3A_7 = tpu.matmul %get3A_6, %get3A_3, %dot_general3A {dimension_numbers = #tpu.dot_dimension_numbers<[1], [0], [0], [1], [0, 0, 1, 1], [], []>, transpose_lhs_hint = false} : vector<1x128xf32>, vector<128x2048xf32>, vector<1x2048xf32> -> vector<1x2048xf32>
    %get3A_8 = arith.constant 0 : index
    %get3A_9 = memref.load %arg1[%get3A_8] : memref<1xf32, #tpu.memory_space<smem>>
    %add3A = vector.broadcast %get3A_9 : f32 to vector<1x2048xf32>
    %add3A_10 = arith.addf %dot_general3A_7, %add3A : vector<1x2048xf32>
    %bitcast_convert_type3A = tpu.bitcast %add3A_10 : vector<1x2048xf32> -> vector<1x2048xi32>
    %eq3A = arith.constant -2147483648 : i32
    %eq3A_11 = vector.broadcast %eq3A : i32 to vector<1x2048xi32>
    %eq3A_12 = arith.cmpi eq, %bitcast_convert_type3A, %eq3A_11 : vector<1x2048xi32>
    %jit3A = arith.constant 0 : i32
    %broadcast_in_dim3A = vector.broadcast %jit3A : i32 to vector<1x2048xi32>
    %select_n3A = arith.select %eq3A_12, %broadcast_in_dim3A, %bitcast_convert_type3A : vector<1x2048xi1>, vector<1x2048xi32>
    %ge3A = arith.constant -2147483648 : i32
    %ge3A_13 = vector.broadcast %ge3A : i32 to vector<1x2048xi32>
    %ge3A_14 = arith.cmpi uge, %select_n3A, %ge3A_13 : vector<1x2048xi32>
    %not3A = arith.constant dense<-1> : vector<1x2048xi32>
    %not3A_15 = arith.xori %select_n3A, %not3A : vector<1x2048xi32>
    %xor3A = arith.constant -2147483648 : i32
    %xor3A_16 = vector.broadcast %xor3A : i32 to vector<1x2048xi32>
    %xor3A_17 = arith.xori %not3A_15, %xor3A_16 : vector<1x2048xi32>
    %select_n3A_18 = arith.select %ge3A_14, %select_n3A, %xor3A_17 : vector<1x2048xi1>, vector<1x2048xi32>
    %bitcast_convert_type3A_19 = tpu.bitcast %select_n3A_18 : vector<1x2048xi32> -> vector<1x2048xi32>
    %swap3A = arith.constant 0 : index
    %swap3A_20 = arith.constant 0 : index
    %swap3A_21 = arith.constant 0 : index
    %swap3A_22 = vector.load %arg5[%swap3A, %swap3A_20, %swap3A_21] : memref<1x1x2048xi32, #tpu.memory_space<vmem>>, vector<1x1x2048xi32>
    %swap3A_23 = vector.shape_cast %swap3A_22 : vector<1x1x2048xi32> to vector<1x2048xi32>
    %swap3A_24 = vector.shape_cast %bitcast_convert_type3A_19 : vector<1x2048xi32> to vector<1x1x2048xi32>
    tpu.vector_store %arg5[%swap3A, %swap3A_20, %swap3A_21], %swap3A_24 {strides = array<i32>} : memref<1x1x2048xi32, #tpu.memory_space<vmem>>, vector<1x1x2048xi32>,
    %get3A_25 = arith.constant 0 : index
    %get3A_26 = arith.constant 0 : index
    %get3A_27 = vector.load %arg4[%get3A_25, %get3A_26] : memref<128x128xf32, #tpu.memory_space<vmem>>, vector<128x128xf32>
    %dot_general3A_28 = arith.constant dense<0.000000e+00> : vector<2048x128xf32>
    %dot_general3A_29 = tpu.matmul %get3A_3, %get3A_27, %dot_general3A_28 {dimension_numbers = #tpu.dot_dimension_numbers<[0], [0], [1], [1], [0, 1, 1, 1], [], []>, precision = #tpu.contract_precision<fp32>, transpose_lhs_hint = false} : vector<128x2048xf32>, vector<128x128xf32>, vector<2048x128xf32> -> vector<2048x128xf32>
    %swap3A_30 = arith.constant 0 : index
    %swap3A_31 = arith.constant 0 : index
    %swap3A_32 = arith.constant 0 : index
    %swap3A_33 = vector.load %arg6[%swap3A_30, %swap3A_31, %swap3A_32] : memref<1x2048x128xf32, #tpu.memory_space<vmem>>, vector<1x2048x128xf32>
    %swap3A_34 = vector.shape_cast %swap3A_33 : vector<1x2048x128xf32> to vector<2048x128xf32>
    %swap3A_35 = vector.shape_cast %dot_general3A_29 : vector<2048x128xf32> to vector<1x2048x128xf32>
    tpu.vector_store %arg6[%swap3A_30, %swap3A_31, %swap3A_32], %swap3A_35 {strides = array<i32>} : memref<1x2048x128xf32, #tpu.memory_space<vmem>>, vector<1x2048x128xf32>,
    return
  }
  func.func @transform_0(%arg0: i32) -> i32 {
    %c0_i32 = arith.constant 0 : i32
    %c0_i32_0 = arith.constant 0 : i32
    return %c0_i32 : i32
  }
  func.func @transform_1(%arg0: i32) -> (i32, i32, i32) {
    %c0_i32 = arith.constant 0 : i32
    %c0_i32_0 = arith.constant 0 : i32
    %c0_i32_1 = arith.constant 0 : i32
    return %arg0, %c0_i32, %c0_i32_0 : i32, i32, i32
  }
  func.func @transform_2(%arg0: i32) -> (i32, i32) {
    %c0_i32 = arith.constant 0 : i32
    %c0_i32_0 = arith.constant 0 : i32
    %c0_i32_1 = arith.constant 0 : i32
    return %c0_i32, %c0_i32_0 : i32, i32
  }
  func.func @transform_3(%arg0: i32) -> (i32, i32) {
    %c0_i32 = arith.constant 0 : i32
    %c0_i32_0 = arith.constant 0 : i32
    %c0_i32_1 = arith.constant 0 : i32
    return %c0_i32, %c0_i32_0 : i32, i32
  }
  func.func @transform_4(%arg0: i32) -> (i32, i32, i32) {
    %c0_i32 = arith.constant 0 : i32
    %c0_i32_0 = arith.constant 0 : i32
    %c0_i32_1 = arith.constant 0 : i32
    return %arg0, %c0_i32, %c0_i32_0 : i32, i32, i32
  }
  func.func @transform_5(%arg0: i32) -> (i32, i32, i32) {
    %c0_i32 = arith.constant 0 : i32
    %c0_i32_0 = arith.constant 0 : i32
    %c0_i32_1 = arith.constant 0 : i32
    return %arg0, %c0_i32, %c0_i32_0 : i32, i32, i32
  }
}

</mosaic_0001>

<sc_bundles>
// kernel: kernel.5.cloned.1.call-start
scs
__scs_entry_jumppad:
0x0: {  	(pc) =	sbr.rel $0x88, $3  }
0x1: {  	(tag) =	ssettag $0x0;
	lr =	simm.s32 $0x1  }
0x2: {  	[smem:$0x3F9E] =	sst lr;
	_ =	strace $0xD0000000  }
0x3: {  	_ = 	snop  }
0x4: {  	_ = 	snop  }
0x5: {  	_ = 	snop  }
0x6: {  	_ = 	snop  }
0x7: {  	_ = 	snop  }
__scs_overlays_trampoline_lowered:
0x8: {  	[smem:$0x3FAD] =	sst s0  }
0x9: {  	[smem:$0x3FAE] =	sst s1  }
0xa: {  	[smem:$0x3FAF] =	sst s2  }
0xb: {  	[smem:$0x3FB0] =	sst s3  }
0xc: {  	[smem:$0x3FB1] =	sst s4  }
0xd: {  	[smem:$0x3FB2] =	sst s5  }
0xe: {  	[smem:$0x3FB3] =	sst s6  }
0xf: {  	[smem:$0x3FB4] =	sst s7  }
0x10: {  	[smem:$0x3FB5] =	sst s8  }
0x11: {  	[smem:$0x3FB6] =	sst s9;
	s0 =	simm.s32 @!p0 $0x0  }
0x12: {  	s1 =	sld [smem:$0x3F9C];
	s0 =	simm.s32 @p0 $0x1  }
0x13: {  	[smem:$0x3FB7] =	sst s0;
	s0 =	simm.s32 @!p1 $0x0  }
0x14: {  	s2 =	sld [smem:$0x3F9B];
	s0 =	simm.s32 @p1 $0x1  }
0x15: {  	[smem:$0x3FB8] =	sst s0;
	s0 =	simm.s32 @!p2 $0x0  }
0x16: {  	s3 =	sld [smem:$0x3FDB];
	s0 =	simm.s32 @p2 $0x1  }
0x17: {  	s4 =	simm.s32 $0x1BF5;
	[smem:$0x3FBA] =	sst s0  }
0x18: {  	s0 =	sld [smem:$0x3F9D];
	_ =	swait.ge [sflag:s4], $0x0  }
0x19: {  	s7 =	sld [smem:$0x3F9E]  }
0x1a: {  	s8 =	sadd.s32 $0xFFFFE003, lr  }
0x1b: {  	s9 =	sadd.s32 $0xFFFFFEF7, lr;
	s5 =	simm.s32 $0xFFFFFFFF;
	p2 =	slt.u32 s8, $0xFFFFF086  }
0x1c: {  	p1 =	slt.u32 s9, $0xF7A;
	s5 =	simm.s32 @!p2 $0x0  }
0x1d: {  	s5 =	simm.s32 @p1 $0x1;
	p0 =	seq.s32 s7, s2  }
0x1e: {  	s7 =	smul.u32 @!p0 $0xF7A, s2;
	p2 =	seq.s32 @!p0 s5, $0x0  }
0x1f: {  	s9 =	smul.u32 $0xF7A, s1;
	s8 =	simm.s32 @!p0 $0x1BF5;
	p2 =	por !p2, p0  }
0x20: {  	[sflag:s8] =	ssyncset.s32 @!p0 $0xFFFFF086;
	s6 =	sadd.s32 @!p0 s3, s7;
	s7 =	simm.s32 @!p0 $0x108  }
0x21: {  	s3 =	sadd.s32 s3, s9;
	s6 =	sadd.s32 @!p0 $0x88, s6;
	s7 =	simm.s32 @p2 $0x1082  }
0x22: {  	[simem:s7], [sflag:s8] =	dma.local @!p0 [hbm:s6], $0xF7A  }
0x23: {  	s9 =	sor.u32 $0xD0000000, s2;
	s6 =	simm.s32 $0x108;
	_ =	swait.ge @!p0 [sflag:s8], $0x0  }
0x24: {  	s3 =	sadd.s32 $0x88, s3;
	s6 =	simm.s32 @!p1 $0x1082;
	[sflag:s4] =	ssyncset.s32 $0xFFFFF086  }
0x25: {  	[simem:s6], [sflag:s4] =	dma.local [hbm:s3], $0xF7A  }
0x26: {  	[smem:$0x3F9E] =	sst s1;
	(tag) =	ssettag s2;
	_ =	strace s9  }
0x27: {  	s1 =	sld [smem:$0x3FAE]  }
0x28: {  	s2 =	sld [smem:$0x3FAF]  }
0x29: {  	s4 =	sld [smem:$0x3FB1]  }
0x2a: {  	p0 =	seq.s32 s5, $0x0;
	s5 =	sld [smem:$0x3FB2]  }
0x2b: {  	s6 =	sld [smem:$0x3FB3]  }
0x2c: {  	s7 =	sld [smem:$0x3FB4]  }
0x2d: {  	s3 =	simm.s32 $0x108;
	s8 =	sld [smem:$0x3FB5]  }
0x2e: {  	s3 =	simm.s32 @!p0 $0x1082;
	s9 =	sld [smem:$0x3FB6]  }
0x2f: {  	lr =	sadd.s32 s0, s3;
	s0 =	sld [smem:$0x3FAD]  }
0x30: {  	s3 =	sld [smem:$0x3FB0]  }
0x31: {  	[smem:$0x3FB9] =	sst s10  }
0x32: {  	s10 =	sld [smem:$0x3FB7];
	_ =	sdelay $0x3  }
0x33: {  	p0 =	seq.s32 s10, $0x1;
	s10 =	sld [smem:$0x3FB9];
	_ =	sdelay $0x3  }
0x34: {  	[smem:$0x3FB9] =	sst s10  }
0x35: {  	s10 =	sld [smem:$0x3FB8];
	_ =	sdelay $0x3  }
0x36: {  	p1 =	seq.s32 s10, $0x1;
	s10 =	sld [smem:$0x3FB9];
	_ =	sdelay $0x3  }
0x37: {  	[smem:$0x3FB9] =	sst s10  }
0x38: {  	s10 =	sld [smem:$0x3FBA]  }
0x39: {  	_ = 	snop;
	(pc) =	sbr.ind lr, $3  }
0x3a: {  	_ = 	snop  }
0x3b: {  	_ = 	snop  }
0x3c: {  	p2 =	seq.s32 s10, $0x1;
	s10 =	sld [smem:$0x3FB9]  }
0x3d: {  	_ =	shalt  }
0x3e: {  	_ =	shalt  }
0x3f: {  	_ =	shalt  }
0x40: {  	_ =	shalt  }
0x41: {  	_ =	shalt  }
0x42: {  	_ =	shalt  }
0x43: {  	_ =	shalt  }
0x44: {  	_ =	shalt  }
0x45: {  	_ =	shalt  }
0x46: {  	_ =	shalt  }
0x47: {  	_ =	shalt  }
0x48: {  	_ =	shalt  }
0x49: {  	_ =	shalt  }
0x4a: {  	_ =	shalt  }
0x4b: {  	_ =	shalt  }
0x4c: {  	_ =	shalt  }
0x4d: {  	_ =	shalt  }
0x4e: {  	_ =	shalt  }
0x4f: {  	_ =	shalt  }
0x50: {  	_ =	shalt  }
0x51: {  	_ =	shalt  }
0x52: {  	_ =	shalt  }
0x53: {  	_ =	shalt  }
0x54: {  	_ =	shalt  }
0x55: {  	_ =	shalt  }
0x56: {  	_ =	shalt  }
0x57: {  	_ =	shalt  }
0x58: {  	_ =	shalt  }
0x59: {  	_ =	shalt  }
0x5a: {  	_ =	shalt  }
0x5b: {  	_ =	shalt  }
0x5c: {  	_ =	shalt  }
0x5d: {  	_ =	shalt  }
0x5e: {  	_ =	shalt  }
0x5f: {  	_ =	shalt  }
0x60: {  	_ =	shalt  }
0x61: {  	_ =	shalt  }
0x62: {  	_ =	shalt  }
0x63: {  	_ =	shalt  }
0x64: {  	_ =	shalt  }
0x65: {  	_ =	shalt  }
0x66: {  	_ =	shalt  }
0x67: {  	_ =	shalt  }
0x68: {  	_ =	shalt  }
0x69: {  	_ =	shalt  }
0x6a: {  	_ =	shalt  }
0x6b: {  	_ =	shalt  }
0x6c: {  	_ =	shalt  }
0x6d: {  	_ =	shalt  }
0x6e: {  	_ =	shalt  }
0x6f: {  	_ =	shalt  }
0x70: {  	_ =	shalt  }
0x71: {  	_ =	shalt  }
0x72: {  	_ =	shalt  }
0x73: {  	_ =	shalt  }
0x74: {  	_ =	shalt  }
0x75: {  	_ =	shalt  }
0x76: {  	_ =	shalt  }
0x77: {  	_ =	shalt  }
0x78: {  	_ =	shalt  }
0x79: {  	_ =	shalt  }
0x7a: {  	_ =	shalt  }
0x7b: {  	_ =	shalt  }
0x7c: {  	_ =	shalt  }
0x7d: {  	_ =	shalt  }
0x7e: {  	_ =	shalt  }
0x7f: {  	_ =	shalt  }
0x80: {  	_ =	shalt  }
0x81: {  	_ =	shalt  }
0x82: {  	_ =	shalt  }
0x83: {  	_ =	shalt  }
0x84: {  	_ =	shalt  }
0x85: {  	_ =	shalt  }
0x86: {  	_ =	shalt  }
0x87: {  	_ =	shalt  }
.Lfunc_end0:
.L_simem_size_0:
called_computation_lowered:
.L_overlay_start_0:
0x88: {  	s2 =	sld [smem:$0x3FD9]  }
0x89: {  	s3 =	sld [smem:$0x3FFE];
	_ =	sdelay $0x1  }
0x8a: {  	s1 =	srdreg.scid  }
0x8b: {  	s0 =	sand.u32 $0x1, s1  }
0x8c: {  	s17 =	sshll.u32 s0, $0xA;
	s2 =	sadd.s32 s3, s2  }
0x8d: {  	s2 =	sadd.s32 s2, s17  }
0x8e: {  	[smem:$0x3FC5] =	sst s2  }
0x8f: {  	_ = 	snop  }
0x90: {  	s2 =	sld [smem:$0x3FD0];
	(tm) =	ssettm $0x1  }
0x91: {  	s18 =	sld [smem:$0x3FFB];
	_ =	sdelay $0x3  }
0x92: {  	_ =	strace s18  }
0x93: {  	s3 =	sld [smem:$0x3FFC];
	_ =	sdelay $0x3  }
0x94: {  	_ =	strace s3  }
0x95: {  	s3 =	sld [smem:$0x3FFD];
	_ =	sdelay $0x3  }
0x96: {  	_ =	strace s3  }
0x97: {  	_ =	strace $0x8FFFFFFF  }
0x98: {  	s19 =	sld [smem:$0x3FDB];
	_ =	sdelay $0x1  }
0x99: {  	s4 =	simm.s32 $_scs_section_size  }
0x9a: {  	s5 =	simm.s32 $_size__tile_overlayer_lowered;
	s6 =	simm.s32 $_tile_overlayer_lowered  }
0x9b: {  	s22 =	simm.s32 $0x1BFF;
	s21 =	sshll.u32 s6, $0x1;
	s3 =	sadd.s32 s4, s19  }
0x9c: {  	s7 =	simm.s32 $0x0;
	s20 =	sshll.u32 s5, $0x1;
	s5 =	sadd.s32 s21, s3  }
0x9d: {  	[timem:s7], [sflag:s22] =	dma.local [hbm:s5], s20  }
0x9e: {  	_ =	swait.ge [sflag:s22], s20  }
0x9f: {  	s4 =	ssub.s32 $0x0, s20;
	[sflag:s22] =	ssyncset.done $0x0  }
0xa0: {  	[sflag:s22] =	ssyncadd.s32 s4;
	_ =	sdelay $0x1  }
0xa1: {  	s23 =	simm.s32 $0x1B8B  }
0xa2: {  	_ =	swait.ge [sflag:s23], $0x1  }
0xa3: {  	[sflag:s23] =	ssyncset.done $0x0  }
0xa4: {  	s25 =	simm.s32 $0x1B8E;
	s24 =	sld [smem:$0x3FFE];
	[sflag:s23] =	ssyncadd.s32 $0xFFFFFFFF  }
0xa5: {  	s26 =	simm.s32 $execute0_lowered;
	[smem:$0x3FD2] =	sst s25  }
0xa6: {  	s5 =	sshll.u32 s26, $0x1;
	_ =	strace $0x80000046;
	[dreg:$0x1] =	wrdreg $0xFFFFFFFF  }
0xa7: {  	s28 =	simm.s32 $_size_execute0_lowered;
	s3 =	sadd.s32 s3, s5;
	[dreg:$0x0] =	wrdreg $0x0  }
0xa8: {  	s5 =	sshll.u32 s28, $0x1;
	[dreg:$0x2] =	wrdreg s3  }
0xa9: {  	[dreg:$0x3] =	wrdreg s5  }
0xaa: {  	[dreg:$0x4] =	wrdreg $0xC0  }
0xab: {  	_ =	task [dreg:s7], $0x5FFFF  }
0xac: {  	[dreg:$0x1] =	wrdreg $0xFFFFFFFF  }
0xad: {  	[dreg:$0x0] =	wrdreg $0x60  }
0xae: {  	[dreg:$0x2] =	wrdreg s2  }
0xaf: {  	[dreg:$0x3] =	wrdreg s24  }
0xb0: {  	[dreg:$0x4] =	wrdreg $0x9  }
0xb1: {  	_ =	task.clear_ibuf [dreg:s7], $0x5FFFF;
	_ =	strace $0x90000046  }
0xb2: {  	s29 =	simm.s32 $0x9;
	_ =	strace $0x80000048  }
0xb3: {  	_ =	swait.ge [sflag:s29], $0x1  }
0xb4: {  	[sflag:s29] =	ssyncadd.s32 $0xFFFFFFFF  }
0xb5: {  	_ =	strace $0x90000048  }
0xb6: {  	_ =	sfence  }
0xb7: {  	s30 =	sld [smem:$0x0];
	_ =	sdelay $0x2  }
0xb8: {  	s31 =	sshll.u32 s1, $0xD;
	s1 =	sshrl.u32 s1, $0x2  }
0xb9: {  	s3 =	sand.u32 $0x4000, s31;
	s1 =	sadd.s32 s1, s30  }
0xba: {  	s0 =	sor.u32 s3, s0;
	s1 =	sshll.u32 s1, $0x11  }
0xbb: {  	s0 =	sor.u32 s1, s0  }
0xbc: {  	s0 =	sadd.s32 $0x8F2B, s0  }
0xbd: {  	[sflag:s0] =	ssyncadd.remote.s32 $0x1  }
0xbe: {  	_ =	sfence.sel $0xFFFF  }
0xbf: {  	[dreg:$0x0] =	wrdreg $0xFFFFFFFF;
	(pc) =	sbr.abs _section_cstart, $3  }
0xc0: {  	[dreg:$0x1] =	wrdreg $0xFFFFFFFF  }
0xc1: {  	_ =	task.clear_ibuf [dreg:s7], $0x2FFFF;
	_ =	strace $0x9FFFFFFF  }
0xc2: {  	(tm) =	ssettm $0x7FFFFFFF  }
0xc3: {  	_ =	shalt  }
tec
execute0_lowered:
.L_overlay_start_1:
0x0: {  	(tag) =	ssettag $0x1  }
0x1: {  	s1 =	stileid.u32  }
0x2: {  	p0 =	sgt.u32 s1, $0x3  }
.Ltmp0:
0x3: {  	_ = 	snop;
	(pc) =	sbr.rel @p0 .LBB2_39-.Ltmp0, $4  }
0x4: {  	s4 =	rddreg [dreg:$0x0]  }
0x5: {  	s3 =	rddreg [dreg:$0x1];
	s2 =	simm.s32 $0x0  }
0x6: {  	[smem:$0x7FF] =	sst s2  }
0x7: {  	s0 =	rddreg [dreg:$0x2];
	_ =	strace $0x80000047  }
0x8: {  	s5 =	srdreg.scid;
	s6 =	sshll.u32 s1, $0x1;
	s9 =	simm.s32 $0x18000  }
0x9: {  	s10 =	simm.s32 $0x8000;
	s11 =	simm.s32 $0x10000;
	s5 =	sand.u32 $0x1, s5  }
0xa: {  	s12 =	simm.s32 $0x19000;
	s13 =	simm.s32 $0x0;
	s6 =	sor.u32 s5, s6  }
0xb: {  	s5 =	ssub.s32 $0x2, s5;
	s7 =	sshll.u32 s6, $0x4;
	s8 =	sshll.u32 s6, $0xF  }
0xc: {  	s31 =	sshrl.u32 s5, $0x1;
	s6 =	simm.s32 $0x80;
	s3 =	sadd.s32 s7, s3  }
0xd: {  	v1 =	vlaneseq.u32;
	s5 =	ssub.s32 s5, s31;
	s4 =	sadd.s32 s4, s7;
	s7 =	simm.s32 $0x400  }
0xe: {  	v2 =	vimm.s32 $0x0;
	v3 =	vimm.s32 $0x1;
	v0 =	vmov s8;
	s8 =	simm.s32 $0x1;
	s3 =	sadd.s32 $0x400800, s3;
	s5 =	smax.u32 s5, $0x1  }
.LBB2_2:
0xf: {  	s14 =	simm.s32 $0x0  }
0x10: {  	[tilespmem:s14], [sflag:$0x1] =	stream.strided.gather [hbm4b:s4+s6], $0x8000, s7, s6, $0x38;
	[tilespmem:$0x1A000] =	vst v63  }
0x11: {  	_ =	swait.ge [sflag:s8], $0x8000  }
0x12: {  	[sflag:s8] =	ssyncset.done $0x0  }
0x13: {  	s15 =	simm.s32 $0x10;
	v4 =	vor.u32 s14, v1;
	[sflag:s8] =	ssyncadd.s32 $0xFFFF8000  }
.LBB2_3:
0x14: {  	p0 =	sne.s32 s15, $0xFF0  }
.Ltmp1:
0x15: {  	_ = 	snop;
	(pc) =	sbr.rel @p0 .LBB2_3-.Ltmp1, $3  }
0x16: {  	_ =	sdelay $0x1  }
0x17: {  	[tilespmem:v4+s9+$0x0] =	vst.idx.msk $0xffff, v2;
	s16 =	smov.u32 s15;
	s15 =	sadd.s32 $0x10, s15  }
0x18: {  	v4 =	vor.u32 s16, v1  }
0x19: {  	_ =	sdelay $0x3  }
0x1a: {  	[tilespmem:v4+s9+$0x0] =	vst.idx.msk $0xffff, v2  }
.LBB2_5:
0x1b: {  	v4 =	vor.u32 s14, v1;
	_ =	sdelay $0x3  }
0x1c: {  	s21 =	simm.s32 $0x0  }
0x1d: {  	v4 =	vld.idx.msk [tilespmem:v4+s21+$0x0], $0xffff;
	_ =	sdelay $0x4  }
0x1e: {  	v4 =	vshrl.u32 v4, $0x14  }
0x1f: {  	v4 =	vand.u32 $0xFF0, v4  }
0x20: {  	p0 =	seq.s32 s14, $0x7FF0;
	v4 =	vor.u32 v1, v4  }
.Ltmp2:
0x21: {  	_ = 	snop;
	(pc) =	sbr.rel @!p0 .LBB2_5-.Ltmp2, $2  }
0x22: {  	_ =	sdelay $0x2  }
0x23: {  	s14 =	sadd.s32 $0x10, s14;
	[tilespmem:v4+s9+$0x0] =	vst.idx.add.s32.msk $0xffff, v3  }
0x24: {  	v4 =	vor.u32 s21, v1;
	_ =	sdelay $0x2  }
0x25: {  	s15 =	simm.s32 $0x10  }
0x26: {  	v5 =	vor.u32 s15, v1  }
0x27: {  	v4 =	vld.idx.msk [tilespmem:v4+s9+$0x0], $0xffff;
	_ =	sdelay $0x3  }
0x28: {  	v5 =	vld.idx.msk [tilespmem:v5+s9+$0x0], $0xffff  }
0x29: {  	(xrf0) =	vadd.scan.msk.s32 $0xffff, v4;
	_ =	sdelay $0x3  }
0x2a: {  	(xrf0) =	vadd.scan.msk.s32 $0xffff, v5;
	_ =	sdelay $0x1  }
0x2b: {  	s24 =	simm.s32 $0x20;
	v4, _, _ =	vpop (xrf0)  }
0x2c: {  	(v2sf) =	vpush v4, $0xF;
	v4 =	vor.u32 s24, v1  }
0x2d: {  	s25 =	simm.s32 $0x30  }
0x2e: {  	v5 =	vor.u32 s25, v1  }
0x2f: {  	v6, _, _ =	vpop (xrf0)  }
0x30: {  	(v2sf) =	vpush v6, $0xF  }
0x31: {  	s26 =	simm.s32 $0x40;
	v4 =	vld.idx.msk [tilespmem:v4+s9+$0x0], $0xffff  }
0x32: {  	v7 =	vor.u32 s26, v1  }
0x33: {  	v5 =	vld.idx.msk [tilespmem:v5+s9+$0x0], $0xffff;
	_ =	sdelay $0x2  }
0x34: {  	(xrf0) =	vadd.scan.msk.s32 $0xffff, v4  }
0x35: {  	v6 =	vld.idx.msk [tilespmem:v7+s9+$0x0], $0xffff  }
0x36: {  	(xrf0) =	vadd.scan.msk.s32 $0xffff, v5;
	_ =	sdelay $0x2  }
0x37: {  	s28 =	simm.s32 $0x50  }
0x38: {  	v7 =	vor.u32 s28, v1;
	(xrf0) =	vadd.scan.msk.s32 $0xffff, v6;
	v6, _, _ =	vpop (xrf0)  }
0x39: {  	s30 =	spop (v2sf);
	(v2sf) =	vpush v6, $0xF  }
0x3a: {  	v6, _, _ =	vpop (xrf0)  }
0x3b: {  	s31 =	spop (v2sf);
	(v2sf) =	vpush v6, $0xF  }
0x3c: {  	s29 =	simm.s32 $0x60  }
0x3d: {  	v4 =	vor.u32 s29, v1;
	v5 =	vld.idx.msk [tilespmem:v7+s9+$0x0], $0xffff  }
0x3e: {  	s14 =	simm.s32 $0xFFFFFFFF;
	s20 =	simm.s32 $0x1;
	s19 =	simm.s32 $0x2  }
0x3f: {  	s18 =	simm.s32 $0x3;
	s17 =	simm.s32 $0x4;
	s24 =	sadd.s32 $0x0, s30  }
0x40: {  	s16 =	simm.s32 $0x5;
	s22 =	simm.s32 $0xFFFFFFFF;
	p0 =	sgt.s32 s24, $0x7FF  }
0x41: {  	s23 =	simm.s32 $0x70;
	s15 =	simm.s32 $0x6;
	s22 =	smov.u32 @p0 s21  }
0x42: {  	v4 =	vld.idx.msk [tilespmem:v4+s9+$0x0], $0xffff;
	(xrf0) =	vadd.scan.msk.s32 $0xffff, v5;
	s21 =	sadd.s32 s24, s31;
	s24 =	simm.s32 $0x7;
	v5, _, _ =	vpop (xrf0);
	p0 =	por $0x1, $0x1  }
.LBB2_7:
0x43: {  	s14 =	smov.u32 @p0 s22  }
0x44: {  	p1 =	sgt.s32 s21, $0x7FF;
	s22 =	smov.u32 s14  }
0x45: {  	v6 =	vor.u32 s23, v1;
	(v2sf) =	vpush v5, $0xF;
	s22 =	smov.u32 @p1 s20;
	p1 =	seq.s32 s24, $0xFF  }
.Ltmp3:
0x46: {  	s20 =	smov.u32 s19;
	(pc) =	sbr.rel @!p1 .LBB2_7-.Ltmp3, $4  }
0x47: {  	s19 =	smov.u32 s18;
	s18 =	smov.u32 s17;
	s17 =	smov.u32 s16  }
0x48: {  	s16 =	smov.u32 s15;
	s15 =	smov.u32 s24;
	s25 =	spop (v2sf)  }
0x49: {  	s23 =	sadd.s32 $0x10, s23;
	s21 =	sadd.s32 s21, s25  }
0x4a: {  	p0 =	slt.s32 s14, $0x0;
	s24 =	sadd.s32 $0x1, s24;
	(xrf0) =	vadd.scan.msk.s32 $0xffff, v4;
	v4 =	vld.idx.msk [tilespmem:v6+s9+$0x0], $0xffff;
	v5, _, _ =	vpop (xrf0)  }
0x4b: {  	_ =	sdelay $0x3  }
0x4c: {  	(xrf0) =	vadd.scan.msk.s32 $0xffff, v4  }
0x4d: {  	(v2sf) =	vpush v5, $0xF;
	_ =	sdelay $0x1  }
0x4e: {  	v4, _, _ =	vpop (xrf0)  }
0x4f: {  	(v2sf) =	vpush v4, $0xF;
	_ =	sdelay $0x1  }
0x50: {  	v4, _, _ =	vpop (xrf0)  }
0x51: {  	(v2sf) =	vpush v4, $0xF  }
0x52: {  	s14 =	smov.u32 @p0 s22  }
0x53: {  	p0 =	sgt.s32 s21, $0x7FF;
	s22 =	smov.u32 s14  }
0x54: {  	s24 =	spop (v2sf);
	s22 =	smov.u32 @p0 s20;
	p0 =	slt.s32 s14, $0x0  }
0x55: {  	s20 =	sadd.s32 s21, s24;
	s14 =	smov.u32 @p0 s22  }
0x56: {  	p0 =	sgt.s32 s20, $0x7FF;
	s21 =	smov.u32 s14  }
0x57: {  	s21 =	smov.u32 @p0 s19;
	p0 =	slt.s32 s14, $0x0;
	s25 =	spop (v2sf)  }
0x58: {  	s14 =	smov.u32 @p0 s21;
	s26 =	sadd.s32 s20, s25  }
0x59: {  	s20 =	smov.u32 s14;
	p0 =	sgt.s32 s26, $0x7FF  }
0x5a: {  	s20 =	smov.u32 @p0 s18;
	p0 =	slt.s32 s14, $0x0;
	s28 =	spop (v2sf)  }
0x5b: {  	s14 =	smov.u32 @p0 s20;
	s18 =	sadd.s32 s26, s28  }
0x5c: {  	s19 =	smov.u32 s14;
	p0 =	sgt.s32 s18, $0x7FF  }
0x5d: {  	s19 =	smov.u32 @p0 s17;
	p0 =	slt.s32 s14, $0x0;
	s29 =	spop (v2sf)  }
0x5e: {  	s14 =	smov.u32 @p0 s19;
	s17 =	sadd.s32 s18, s29  }
0x5f: {  	s18 =	smov.u32 s14;
	p0 =	sgt.s32 s17, $0x7FF  }
0x60: {  	s18 =	smov.u32 @p0 s16;
	p0 =	slt.s32 s14, $0x0;
	s30 =	spop (v2sf)  }
0x61: {  	s14 =	smov.u32 @p0 s18;
	s16 =	sadd.s32 s17, s30  }
0x62: {  	p0 =	sgt.s32 s16, $0x7FF;
	s16 =	smov.u32 s14  }
0x63: {  	s16 =	smov.u32 @p0 s15;
	p0 =	slt.s32 s14, $0x0  }
0x64: {  	s14 =	smov.u32 @p0 s16  }
0x65: {  	v4 =	vmov s14;
	s14 =	simm.s32 $0x0  }
0x66: {  	v5 =	vor.u32 s14, v1;
	_ =	sdelay $0x4  }
0x67: {  	v6 =	vld.idx.msk [tilespmem:v5+s2+$0x0], $0xffff;
	_ =	sdelay $0x4  }
0x68: {  	v6 =	vshrl.u32 v6, $0x18  }
0x69: {  	vm0 =	vle.s32 v6, v4  }
0x6a: {  	v6 =	vsel vm0, $0x1, v2  }
0x6b: {  	(xrf0) =	vadd.scan.msk.s32 $0xffff, v6;
	_ =	sdelay $0x2  }
0x6c: {  	v6 =	vmov s14  }
0x6d: {  	v6 =	vadd.s32 $0xFFFFFFFF, v6  }
0x6e: {  	v6 =	vbroadcast v6, $0x0  }
0x6f: {  	v8, _, _ =	vpop (xrf0)  }
0x70: {  	s31 =	simm.s32 $0x10;
	v7 =	vadd.s32 v8, v6;
	(v2sf) =	vpush v8, $0xF  }
0x71: {  	s15 =	simm.s32 $0x20;
	v6 =	vor.u32 s31, v1  }
.LBB2_9:
0x72: {  	p0 =	sne.s32 s15, $0x7FF0;
	_ =	sdelay $0x2  }
0x73: {  	[tilespmem:v7+s10+$0x0] =	vst.idx.msk vm0, v5;
	v5 =	vmov v6  }
0x74: {  	v6 =	vld.idx.msk [tilespmem:v6+s2+$0x0], $0xffff;
	_ =	sdelay $0x5  }
0x75: {  	v6 =	vshrl.u32 v6, $0x18  }
0x76: {  	vm0 =	vle.s32 v6, v4  }
0x77: {  	v6 =	vsel vm0, $0x1, v2  }
0x78: {  	(xrf0) =	vadd.scan.msk.s32 $0xffff, v6;
	s16 =	spop (v2sf)  }
0x79: {  	s14 =	sadd.s32 s14, s16  }
0x7a: {  	v6 =	vmov s14  }
0x7b: {  	v6 =	vadd.s32 $0xFFFFFFFF, v6  }
.Ltmp4:
0x7c: {  	v6 =	vbroadcast v6, $0x0;
	(pc) =	sbr.rel @p0 .LBB2_9-.Ltmp4, $4  }
0x7d: {  	_ = 	snop  }
0x7e: {  	v8, _, _ =	vpop (xrf0)  }
0x7f: {  	v7 =	vadd.s32 v8, v6;
	(v2sf) =	vpush v8, $0xF  }
0x80: {  	v6 =	vor.u32 s15, v1;
	s15 =	sadd.s32 $0x10, s15  }
0x81: {  	_ =	sdelay $0x4  }
0x82: {  	[tilespmem:v7+s10+$0x0] =	vst.idx.msk vm0, v5  }
0x83: {  	v5 =	vld.idx.msk [tilespmem:v6+s2+$0x0], $0xffff;
	_ =	sdelay $0x4  }
0x84: {  	v5 =	vshrl.u32 v5, $0x18  }
0x85: {  	vm15 =	vle.s32 v5, v4  }
0x86: {  	v4 =	vsel vm15, $0x1, v2  }
0x87: {  	(xrf0) =	vadd.scan.msk.s32 $0xffff, v4;
	_ =	sdelay $0x5  }
0x88: {  	v4, _, _ =	vpop (xrf0)  }
0x89: {  	(v2sf) =	vpush v4, $0xF;
	_ =	sdelay $0xd  }
0x8a: {  	s15 =	spop (v2sf)  }
0x8b: {  	s14 =	sadd.s32 s14, s15;
	s28 =	spop (v2sf)  }
0x8c: {  	s15 =	sadd.s32 s14, s28  }
0x8d: {  	s16 =	sadd.s32 $0xF, s15  }
0x8e: {  	s17 =	sand.u32 $0xF, s16  }
0x8f: {  	s29 =	sshra.s32 s16, $0x1F;
	p1 =	slt.s32 s16, $0x1;
	p0 =	sne.s32 s17, $0x0  }
0x90: {  	s17 =	sshrl.u32 s29, $0x1C;
	p0 =	por !p1, !p0  }
0x91: {  	v5 =	vmov s14;
	s30 =	sadd.s32 s17, s16;
	s16 =	simm.s32 $0x1;
	p0 =	por !p0, !p0  }
0x92: {  	v5 =	vadd.s32 $0xFFFFFFFF, v5;
	s14 =	sshra.s32 s30, $0x4;
	s16 =	simm.s32 @!p0 $0x0  }
0x93: {  	v5 =	vbroadcast v5, $0x0;
	s14 =	ssub.s32 s14, s16  }
0x94: {  	v7 =	vadd.s32 s15, v1;
	s16 =	sshll.u32 s14, $0x4  }
0x95: {  	v4 =	vadd.s32 v4, v5;
	vm1 =	vlt.s32 v7, $0x7FFF;
	vm2 =	vlt.s32 v7, s16  }
0x96: {  	v5 =	vnsel vm1, $0x7FFF, v7;
	_ =	sdelay $0x3  }
0x97: {  	[tilespmem:v4+s10+$0x0] =	vst.idx.msk vm15, v6  }
0x98: {  	s31 =	simm.s32 $0x0;
	[tilespmem:v5+s10+$0x0] =	vst.idx.msk vm2, v2  }
0x99: {  	v4 =	vmov s15;
	s15 =	simm.s32 $0x10;
	[tilespmem:v5+s11+$0x0] =	vst.idx.msk vm2, v2;
	v5 =	vor.u32 s31, v1  }
.LBB2_11:
0x9a: {  	p0 =	seq.s32 s15, $0xFF0  }
.Ltmp5:
0x9b: {  	_ = 	snop;
	(pc) =	sbr.rel @!p0 .LBB2_11-.Ltmp5, $3  }
0x9c: {  	_ =	sdelay $0x1  }
0x9d: {  	[tilespmem:v5+s9+$0x0] =	vst.idx.msk $0xffff, v2;
	s16 =	smov.u32 s15;
	s15 =	sadd.s32 $0x10, s15  }
0x9e: {  	v5 =	vor.u32 s16, v1  }
0x9f: {  	p0 =	sgt.s32 s14, $0x0  }
.Ltmp6:
0xa0: {  	_ = 	snop;
	(pc) =	sbr.rel @!p0 .LBB2_13-.Ltmp6, $2  }
0xa1: {  	_ =	sdelay $0x1  }
0xa2: {  	[tilespmem:v5+s9+$0x0] =	vst.idx.msk $0xffff, v2;
	v5 =	vmul.u32 s14, v1;
	_ =	sdelay $0x1  }
0xa3: {  	s15 =	simm.s32 $0x0  }
0xa4: {  	v6 =	vadd.s32 s15, v5;
	_ =	sdelay $0x4  }
0xa5: {  	v7 =	vld.idx.msk [tilespmem:v6+s10+$0x0], $0xffff;
	_ =	sdelay $0x7  }
0xa6: {  	v7 =	vld.idx.msk [tilespmem:v7+s2+$0x0], $0xffff;
	_ =	sdelay $0x1  }
0xa7: {  	p1 =	seq.s32 s14, $0x1  }
.Ltmp7:
0xa8: {  	_ = 	snop;
	(pc) =	sbr.rel @p1 .LBB2_42-.Ltmp7, $4  }
0xa9: {  	_ = 	snop  }
0xaa: {  	v7 =	vshll.u32 v7, $0x4  }
0xab: {  	vm0 =	vlt.s32 v6, v4;
	v7 =	vor.u32 v1, v7  }
0xac: {  	s15 =	simm.s32 $0x1;
	v6 =	vand.u32 $0xFFF, v7  }
.LBB2_41:
0xad: {  	v7 =	vadd.s32 s15, v5;
	s15 =	sadd.s32 $0x1, s15  }
0xae: {  	p1 =	seq.s32 s14, s15;
	_ =	sdelay $0x2  }
0xaf: {  	[tilespmem:v6+s9+$0x0] =	vst.idx.add.s32.msk vm0, v3  }
0xb0: {  	v6 =	vld.idx.msk [tilespmem:v7+s10+$0x0], $0xffff;
	_ =	sdelay $0x7  }
0xb1: {  	v6 =	vld.idx.msk [tilespmem:v6+s2+$0x0], $0xffff;
	_ =	sdelay $0x3  }
.Ltmp8:
0xb2: {  	(pc) =	sbr.rel @!p1 .LBB2_41-.Ltmp8, $4  }
0xb3: {  	_ = 	snop  }
0xb4: {  	v6 =	vshll.u32 v6, $0x4  }
0xb5: {  	vm0 =	vlt.s32 v7, v4;
	v6 =	vor.u32 v1, v6  }
0xb6: {  	v6 =	vand.u32 $0xFFF, v6  }
.LBB2_42:
0xb7: {  	_ =	sdelay $0x4  }
0xb8: {  	[tilespmem:v6+s9+$0x0] =	vst.idx.add.s32.msk vm0, v3  }
.LBB2_13:
0xb9: {  	s15 =	simm.s32 $0x0  }
0xba: {  	v6 =	vor.u32 s15, v1;
	_ =	sdelay $0x4  }
0xbb: {  	v8 =	vld.idx.msk [tilespmem:v6+s9+$0x0], $0xffff;
	_ =	sdelay $0x4  }
0xbc: {  	(xrf0) =	vadd.scan.msk.s32 $0xffff, v8;
	_ =	sdelay $0x4  }
0xbd: {  	s16 =	simm.s32 $0x10  }
0xbe: {  	v7 =	vor.u32 s16, v1;
	s16 =	simm.s32 $0x20;
	v9, _, _ =	vpop (xrf0)  }
.LBB2_14:
0xbf: {  	p1 =	seq.s32 s16, $0xFF0;
	v8 =	vsub.s32 s15, v8;
	(v2sf) =	vpush v9, $0xF  }
0xc0: {  	v8 =	vadd.s32 v9, v8  }
0xc1: {  	[tilespmem:v6+s12+$0x0] =	vst.idx.msk $0xffff, v8;
	v6 =	vmov v7;
	_ =	sdelay $0x1  }
0xc2: {  	v8 =	vld.idx.msk [tilespmem:v7+s9+$0x0], $0xffff;
	_ =	sdelay $0x5  }
0xc3: {  	(xrf0) =	vadd.scan.msk.s32 $0xffff, v8;
	_ =	sdelay $0x1  }
.Ltmp9:
0xc4: {  	(pc) =	sbr.rel @!p1 .LBB2_14-.Ltmp9, $3  }
0xc5: {  	_ =	sdelay $0x1  }
0xc6: {  	s17 =	spop (v2sf)  }
0xc7: {  	v7 =	vor.u32 s16, v1;
	s16 =	sadd.s32 $0x10, s16;
	v9, _, _ =	vpop (xrf0);
	s15 =	sadd.s32 s15, s17  }
0xc8: {  	_ =	sdelay $0x1  }
0xc9: {  	v8 =	vsub.s32 s15, v8  }
0xca: {  	v8 =	vadd.s32 v9, v8  }
0xcb: {  	[tilespmem:v6+s12+$0x0] =	vst.idx.msk $0xffff, v8  }
0xcc: {  	v6 =	vld.idx.msk [tilespmem:v7+s9+$0x0], $0xffff;
	_ =	sdelay $0x4  }
0xcd: {  	(xrf0) =	vadd.scan.msk.s32 $0xffff, v6;
	_ =	sdelay $0x2  }
0xce: {  	(v2sf) =	vpush v9, $0xF;
	_ =	sdelay $0x2  }
0xcf: {  	v63, _, _ =	vpop (xrf0)  }
0xd0: {  	(v2sf) =	vpush v63, $0xF;
	_ =	sdelay $0xa  }
.Ltmp10:
0xd1: {  	s16 =	spop (v2sf);
	(pc) =	sbr.rel @!p0 .LBB2_16-.Ltmp10, $4  }
0xd2: {  	s30 =	sadd.s32 s15, s16  }
0xd3: {  	v6 =	vsub.s32 s30, v6  }
0xd4: {  	v6 =	vadd.s32 v63, v6  }
0xd5: {  	[tilespmem:v7+s12+$0x0] =	vst.idx.msk $0xffff, v6;
	s31 =	spop (v2sf)  }
0xd6: {  	s15 =	simm.s32 $0x0  }
.LBB2_44:
0xd7: {  	v6 =	vadd.s32 s15, v5;
	_ =	sdelay $0x4  }
0xd8: {  	v7 =	vld.idx.msk [tilespmem:v6+s10+$0x0], $0xffff;
	_ =	sdelay $0x7  }
0xd9: {  	v8 =	vld.idx.msk [tilespmem:v7+s2+$0x0], $0xffff;
	_ =	sdelay $0x4  }
0xda: {  	v8 =	vshll.u32 v8, $0x4  }
0xdb: {  	v8 =	vor.u32 v1, v8  }
0xdc: {  	v8 =	vand.u32 $0xFFF, v8;
	_ =	sdelay $0x4  }
0xdd: {  	v9 =	vld.idx.msk [tilespmem:v8+s12+$0x0], $0xffff;
	_ =	sdelay $0x1  }
0xde: {  	vm0 =	vlt.s32 v6, v4  }
0xdf: {  	s15 =	sadd.s32 $0x1, s15  }
0xe0: {  	p1 =	seq.s32 s14, s15  }
.Ltmp11:
0xe1: {  	_ = 	snop;
	(pc) =	sbr.rel @!p1 .LBB2_44-.Ltmp11, $3  }
0xe2: {  	_ =	sdelay $0x1  }
0xe3: {  	[tilespmem:v9+s11+$0x0] =	vst.idx.msk vm0, v7  }
0xe4: {  	[tilespmem:v8+s12+$0x0] =	vst.idx.add.s32.msk vm0, v3  }
.LBB2_16:
0xe5: {  	s16 =	simm.s32 $0x0  }
0xe6: {  	s15 =	simm.s32 $0x10;
	v6 =	vor.u32 s16, v1  }
.LBB2_17:
0xe7: {  	p1 =	seq.s32 s15, $0xFF0  }
.Ltmp12:
0xe8: {  	_ = 	snop;
	(pc) =	sbr.rel @!p1 .LBB2_17-.Ltmp12, $3  }
0xe9: {  	_ =	sdelay $0x1  }
0xea: {  	[tilespmem:v6+s9+$0x0] =	vst.idx.msk $0xffff, v2;
	s16 =	smov.u32 s15;
	s15 =	sadd.s32 $0x10, s15  }
0xeb: {  	v6 =	vor.u32 s16, v1  }
.Ltmp13:
0xec: {  	_ = 	snop;
	(pc) =	sbr.rel @!p0 .LBB2_19-.Ltmp13, $2  }
0xed: {  	_ =	sdelay $0x2  }
0xee: {  	[tilespmem:v6+s9+$0x0] =	vst.idx.msk $0xffff, v2  }
0xef: {  	s15 =	simm.s32 $0x0  }
0xf0: {  	v6 =	vadd.s32 s15, v5;
	_ =	sdelay $0x4  }
0xf1: {  	v7 =	vld.idx.msk [tilespmem:v6+s11+$0x0], $0xffff;
	_ =	sdelay $0x7  }
0xf2: {  	v7 =	vld.idx.msk [tilespmem:v7+s2+$0x0], $0xffff;
	_ =	sdelay $0x1  }
0xf3: {  	p1 =	seq.s32 s14, $0x1  }
.Ltmp14:
0xf4: {  	_ = 	snop;
	(pc) =	sbr.rel @p1 .LBB2_47-.Ltmp14, $4  }
0xf5: {  	_ = 	snop  }
0xf6: {  	v7 =	vshrl.u32 v7, $0x4  }
0xf7: {  	vm0 =	vlt.s32 v6, v4;
	v7 =	vand.u32 $0xFF0, v7  }
0xf8: {  	s15 =	simm.s32 $0x1;
	v6 =	vor.u32 v1, v7  }
.LBB2_46:
0xf9: {  	v7 =	vadd.s32 s15, v5;
	s15 =	sadd.s32 $0x1, s15  }
0xfa: {  	p1 =	seq.s32 s14, s15;
	_ =	sdelay $0x2  }
0xfb: {  	[tilespmem:v6+s9+$0x0] =	vst.idx.add.s32.msk vm0, v3  }
0xfc: {  	v6 =	vld.idx.msk [tilespmem:v7+s11+$0x0], $0xffff;
	_ =	sdelay $0x7  }
0xfd: {  	v6 =	vld.idx.msk [tilespmem:v6+s2+$0x0], $0xffff;
	_ =	sdelay $0x3  }
.Ltmp15:
0xfe: {  	(pc) =	sbr.rel @!p1 .LBB2_46-.Ltmp15, $4  }
0xff: {  	_ = 	snop  }
0x100: {  	v6 =	vshrl.u32 v6, $0x4  }
0x101: {  	vm0 =	vlt.s32 v7, v4;
	v6 =	vand.u32 $0xFF0, v6  }
0x102: {  	v6 =	vor.u32 v1, v6  }
.LBB2_47:
0x103: {  	_ =	sdelay $0x4  }
0x104: {  	[tilespmem:v6+s9+$0x0] =	vst.idx.add.s32.msk vm0, v3  }
.LBB2_19:
0x105: {  	s15 =	simm.s32 $0x0  }
0x106: {  	v6 =	vor.u32 s15, v1;
	_ =	sdelay $0x4  }
0x107: {  	v8 =	vld.idx.msk [tilespmem:v6+s9+$0x0], $0xffff;
	_ =	sdelay $0x4  }
0x108: {  	(xrf0) =	vadd.scan.msk.s32 $0xffff, v8;
	_ =	sdelay $0x4  }
0x109: {  	s16 =	simm.s32 $0x10  }
0x10a: {  	v7 =	vor.u32 s16, v1;
	s16 =	simm.s32 $0x20;
	v9, _, _ =	vpop (xrf0)  }
.LBB2_20:
0x10b: {  	p1 =	seq.s32 s16, $0xFF0;
	v8 =	vsub.s32 s15, v8;
	(v2sf) =	vpush v9, $0xF  }
0x10c: {  	v8 =	vadd.s32 v9, v8  }
0x10d: {  	[tilespmem:v6+s12+$0x0] =	vst.idx.msk $0xffff, v8;
	v6 =	vmov v7;
	_ =	sdelay $0x1  }
0x10e: {  	v8 =	vld.idx.msk [tilespmem:v7+s9+$0x0], $0xffff;
	_ =	sdelay $0x5  }
0x10f: {  	(xrf0) =	vadd.scan.msk.s32 $0xffff, v8;
	_ =	sdelay $0x1  }
.Ltmp16:
0x110: {  	(pc) =	sbr.rel @!p1 .LBB2_20-.Ltmp16, $3  }
0x111: {  	_ =	sdelay $0x1  }
0x112: {  	s17 =	spop (v2sf)  }
0x113: {  	v7 =	vor.u32 s16, v1;
	s16 =	sadd.s32 $0x10, s16;
	v9, _, _ =	vpop (xrf0);
	s15 =	sadd.s32 s15, s17  }
0x114: {  	_ =	sdelay $0x1  }
0x115: {  	v8 =	vsub.s32 s15, v8  }
0x116: {  	v8 =	vadd.s32 v9, v8  }
0x117: {  	[tilespmem:v6+s12+$0x0] =	vst.idx.msk $0xffff, v8  }
0x118: {  	v6 =	vld.idx.msk [tilespmem:v7+s9+$0x0], $0xffff;
	_ =	sdelay $0x4  }
0x119: {  	(xrf0) =	vadd.scan.msk.s32 $0xffff, v6;
	_ =	sdelay $0x2  }
0x11a: {  	(v2sf) =	vpush v9, $0xF;
	_ =	sdelay $0x2  }
0x11b: {  	v63, _, _ =	vpop (xrf0)  }
0x11c: {  	(v2sf) =	vpush v63, $0xF;
	_ =	sdelay $0xa  }
.Ltmp17:
0x11d: {  	s16 =	spop (v2sf);
	(pc) =	sbr.rel @!p0 .LBB2_22-.Ltmp17, $4  }
0x11e: {  	s30 =	sadd.s32 s15, s16  }
0x11f: {  	v6 =	vsub.s32 s30, v6  }
0x120: {  	v6 =	vadd.s32 v63, v6  }
0x121: {  	[tilespmem:v7+s12+$0x0] =	vst.idx.msk $0xffff, v6;
	s31 =	spop (v2sf)  }
0x122: {  	s15 =	simm.s32 $0x0  }
.LBB2_49:
0x123: {  	v6 =	vadd.s32 s15, v5;
	_ =	sdelay $0x4  }
0x124: {  	v7 =	vld.idx.msk [tilespmem:v6+s11+$0x0], $0xffff;
	_ =	sdelay $0x7  }
0x125: {  	v8 =	vld.idx.msk [tilespmem:v7+s2+$0x0], $0xffff;
	_ =	sdelay $0x4  }
0x126: {  	v8 =	vshrl.u32 v8, $0x4  }
0x127: {  	v8 =	vand.u32 $0xFF0, v8  }
0x128: {  	v8 =	vor.u32 v1, v8;
	_ =	sdelay $0x4  }
0x129: {  	v9 =	vld.idx.msk [tilespmem:v8+s12+$0x0], $0xffff;
	_ =	sdelay $0x1  }
0x12a: {  	vm0 =	vlt.s32 v6, v4  }
0x12b: {  	s15 =	sadd.s32 $0x1, s15  }
0x12c: {  	p1 =	seq.s32 s14, s15  }
.Ltmp18:
0x12d: {  	_ = 	snop;
	(pc) =	sbr.rel @!p1 .LBB2_49-.Ltmp18, $3  }
0x12e: {  	_ =	sdelay $0x1  }
0x12f: {  	[tilespmem:v9+s10+$0x0] =	vst.idx.msk vm0, v7  }
0x130: {  	[tilespmem:v8+s12+$0x0] =	vst.idx.add.s32.msk vm0, v3  }
.LBB2_22:
0x131: {  	s16 =	simm.s32 $0x0  }
0x132: {  	s15 =	simm.s32 $0x10;
	v6 =	vor.u32 s16, v1  }
.LBB2_23:
0x133: {  	p1 =	seq.s32 s15, $0xFF0  }
.Ltmp19:
0x134: {  	_ = 	snop;
	(pc) =	sbr.rel @!p1 .LBB2_23-.Ltmp19, $3  }
0x135: {  	_ =	sdelay $0x1  }
0x136: {  	[tilespmem:v6+s9+$0x0] =	vst.idx.msk $0xffff, v2;
	s16 =	smov.u32 s15;
	s15 =	sadd.s32 $0x10, s15  }
0x137: {  	v6 =	vor.u32 s16, v1  }
.Ltmp20:
0x138: {  	_ = 	snop;
	(pc) =	sbr.rel @!p0 .LBB2_25-.Ltmp20, $2  }
0x139: {  	_ =	sdelay $0x2  }
0x13a: {  	[tilespmem:v6+s9+$0x0] =	vst.idx.msk $0xffff, v2  }
0x13b: {  	s15 =	simm.s32 $0x0  }
0x13c: {  	v6 =	vadd.s32 s15, v5;
	_ =	sdelay $0x4  }
0x13d: {  	v7 =	vld.idx.msk [tilespmem:v6+s10+$0x0], $0xffff;
	_ =	sdelay $0x7  }
0x13e: {  	v7 =	vld.idx.msk [tilespmem:v7+s2+$0x0], $0xffff;
	_ =	sdelay $0x1  }
0x13f: {  	p1 =	seq.s32 s14, $0x1  }
.Ltmp21:
0x140: {  	_ = 	snop;
	(pc) =	sbr.rel @p1 .LBB2_52-.Ltmp21, $4  }
0x141: {  	_ = 	snop  }
0x142: {  	v7 =	vshrl.u32 v7, $0xC  }
0x143: {  	vm0 =	vlt.s32 v6, v4;
	v7 =	vand.u32 $0xFF0, v7  }
0x144: {  	s15 =	simm.s32 $0x1;
	v6 =	vor.u32 v1, v7  }
.LBB2_51:
0x145: {  	v7 =	vadd.s32 s15, v5;
	s15 =	sadd.s32 $0x1, s15  }
0x146: {  	p1 =	seq.s32 s14, s15;
	_ =	sdelay $0x2  }
0x147: {  	[tilespmem:v6+s9+$0x0] =	vst.idx.add.s32.msk vm0, v3  }
0x148: {  	v6 =	vld.idx.msk [tilespmem:v7+s10+$0x0], $0xffff;
	_ =	sdelay $0x7  }
0x149: {  	v6 =	vld.idx.msk [tilespmem:v6+s2+$0x0], $0xffff;
	_ =	sdelay $0x3  }
.Ltmp22:
0x14a: {  	(pc) =	sbr.rel @!p1 .LBB2_51-.Ltmp22, $4  }
0x14b: {  	_ = 	snop  }
0x14c: {  	v6 =	vshrl.u32 v6, $0xC  }
0x14d: {  	vm0 =	vlt.s32 v7, v4;
	v6 =	vand.u32 $0xFF0, v6  }
0x14e: {  	v6 =	vor.u32 v1, v6  }
.LBB2_52:
0x14f: {  	_ =	sdelay $0x4  }
0x150: {  	[tilespmem:v6+s9+$0x0] =	vst.idx.add.s32.msk vm0, v3  }
.LBB2_25:
0x151: {  	s15 =	simm.s32 $0x0  }
0x152: {  	v6 =	vor.u32 s15, v1;
	_ =	sdelay $0x4  }
0x153: {  	v8 =	vld.idx.msk [tilespmem:v6+s9+$0x0], $0xffff;
	_ =	sdelay $0x4  }
0x154: {  	(xrf0) =	vadd.scan.msk.s32 $0xffff, v8;
	_ =	sdelay $0x4  }
0x155: {  	s16 =	simm.s32 $0x10  }
0x156: {  	v7 =	vor.u32 s16, v1;
	s16 =	simm.s32 $0x20;
	v9, _, _ =	vpop (xrf0)  }
.LBB2_26:
0x157: {  	p1 =	seq.s32 s16, $0xFF0;
	v8 =	vsub.s32 s15, v8;
	(v2sf) =	vpush v9, $0xF  }
0x158: {  	v8 =	vadd.s32 v9, v8  }
0x159: {  	[tilespmem:v6+s12+$0x0] =	vst.idx.msk $0xffff, v8;
	v6 =	vmov v7;
	_ =	sdelay $0x1  }
0x15a: {  	v8 =	vld.idx.msk [tilespmem:v7+s9+$0x0], $0xffff;
	_ =	sdelay $0x5  }
0x15b: {  	(xrf0) =	vadd.scan.msk.s32 $0xffff, v8;
	_ =	sdelay $0x1  }
.Ltmp23:
0x15c: {  	(pc) =	sbr.rel @!p1 .LBB2_26-.Ltmp23, $3  }
0x15d: {  	_ =	sdelay $0x1  }
0x15e: {  	s17 =	spop (v2sf)  }
0x15f: {  	v7 =	vor.u32 s16, v1;
	s16 =	sadd.s32 $0x10, s16;
	v9, _, _ =	vpop (xrf0);
	s15 =	sadd.s32 s15, s17  }
0x160: {  	_ =	sdelay $0x1  }
0x161: {  	v8 =	vsub.s32 s15, v8  }
0x162: {  	v8 =	vadd.s32 v9, v8  }
0x163: {  	[tilespmem:v6+s12+$0x0] =	vst.idx.msk $0xffff, v8  }
0x164: {  	v6 =	vld.idx.msk [tilespmem:v7+s9+$0x0], $0xffff;
	_ =	sdelay $0x4  }
0x165: {  	(xrf0) =	vadd.scan.msk.s32 $0xffff, v6;
	_ =	sdelay $0x2  }
0x166: {  	(v2sf) =	vpush v9, $0xF;
	_ =	sdelay $0x2  }
0x167: {  	v63, _, _ =	vpop (xrf0)  }
0x168: {  	(v2sf) =	vpush v63, $0xF;
	_ =	sdelay $0xa  }
.Ltmp24:
0x169: {  	s16 =	spop (v2sf);
	(pc) =	sbr.rel @!p0 .LBB2_28-.Ltmp24, $4  }
0x16a: {  	s30 =	sadd.s32 s15, s16  }
0x16b: {  	v6 =	vsub.s32 s30, v6  }
0x16c: {  	v6 =	vadd.s32 v63, v6  }
0x16d: {  	[tilespmem:v7+s12+$0x0] =	vst.idx.msk $0xffff, v6;
	s31 =	spop (v2sf)  }
0x16e: {  	s15 =	simm.s32 $0x0  }
.LBB2_54:
0x16f: {  	v6 =	vadd.s32 s15, v5;
	_ =	sdelay $0x4  }
0x170: {  	v7 =	vld.idx.msk [tilespmem:v6+s10+$0x0], $0xffff;
	_ =	sdelay $0x7  }
0x171: {  	v8 =	vld.idx.msk [tilespmem:v7+s2+$0x0], $0xffff;
	_ =	sdelay $0x4  }
0x172: {  	v8 =	vshrl.u32 v8, $0xC  }
0x173: {  	v8 =	vand.u32 $0xFF0, v8  }
0x174: {  	v8 =	vor.u32 v1, v8;
	_ =	sdelay $0x4  }
0x175: {  	v9 =	vld.idx.msk [tilespmem:v8+s12+$0x0], $0xffff;
	_ =	sdelay $0x1  }
0x176: {  	vm0 =	vlt.s32 v6, v4  }
0x177: {  	s15 =	sadd.s32 $0x1, s15  }
0x178: {  	p1 =	seq.s32 s14, s15  }
.Ltmp25:
0x179: {  	_ = 	snop;
	(pc) =	sbr.rel @!p1 .LBB2_54-.Ltmp25, $3  }
0x17a: {  	_ =	sdelay $0x1  }
0x17b: {  	[tilespmem:v9+s11+$0x0] =	vst.idx.msk vm0, v7  }
0x17c: {  	[tilespmem:v8+s12+$0x0] =	vst.idx.add.s32.msk vm0, v3  }
.LBB2_28:
0x17d: {  	s16 =	simm.s32 $0x0  }
0x17e: {  	s15 =	simm.s32 $0x10;
	v6 =	vor.u32 s16, v1  }
.LBB2_29:
0x17f: {  	p1 =	seq.s32 s15, $0xFF0  }
.Ltmp26:
0x180: {  	_ = 	snop;
	(pc) =	sbr.rel @!p1 .LBB2_29-.Ltmp26, $3  }
0x181: {  	_ =	sdelay $0x1  }
0x182: {  	[tilespmem:v6+s9+$0x0] =	vst.idx.msk $0xffff, v2;
	s16 =	smov.u32 s15;
	s15 =	sadd.s32 $0x10, s15  }
0x183: {  	v6 =	vor.u32 s16, v1  }
.Ltmp27:
0x184: {  	_ = 	snop;
	(pc) =	sbr.rel @!p0 .LBB2_31-.Ltmp27, $2  }
0x185: {  	_ =	sdelay $0x2  }
0x186: {  	[tilespmem:v6+s9+$0x0] =	vst.idx.msk $0xffff, v2  }
0x187: {  	s15 =	simm.s32 $0x0  }
0x188: {  	v6 =	vadd.s32 s15, v5;
	_ =	sdelay $0x4  }
0x189: {  	v7 =	vld.idx.msk [tilespmem:v6+s11+$0x0], $0xffff;
	_ =	sdelay $0x7  }
0x18a: {  	v7 =	vld.idx.msk [tilespmem:v7+s2+$0x0], $0xffff;
	_ =	sdelay $0x1  }
0x18b: {  	p0 =	seq.s32 s14, $0x1  }
.Ltmp28:
0x18c: {  	_ = 	snop;
	(pc) =	sbr.rel @p0 .LBB2_57-.Ltmp28, $4  }
0x18d: {  	_ = 	snop  }
0x18e: {  	v7 =	vshrl.u32 v7, $0x14  }
0x18f: {  	vm0 =	vlt.s32 v6, v4;
	v7 =	vand.u32 $0xFF0, v7  }
0x190: {  	s15 =	simm.s32 $0x1;
	v6 =	vor.u32 v1, v7  }
.LBB2_56:
0x191: {  	v7 =	vadd.s32 s15, v5;
	s15 =	sadd.s32 $0x1, s15  }
0x192: {  	p0 =	seq.s32 s14, s15;
	_ =	sdelay $0x2  }
0x193: {  	[tilespmem:v6+s9+$0x0] =	vst.idx.add.s32.msk vm0, v3  }
0x194: {  	v6 =	vld.idx.msk [tilespmem:v7+s11+$0x0], $0xffff;
	_ =	sdelay $0x7  }
0x195: {  	v6 =	vld.idx.msk [tilespmem:v6+s2+$0x0], $0xffff;
	_ =	sdelay $0x3  }
.Ltmp29:
0x196: {  	(pc) =	sbr.rel @!p0 .LBB2_56-.Ltmp29, $4  }
0x197: {  	_ = 	snop  }
0x198: {  	v6 =	vshrl.u32 v6, $0x14  }
0x199: {  	vm0 =	vlt.s32 v7, v4;
	v6 =	vand.u32 $0xFF0, v6  }
0x19a: {  	v6 =	vor.u32 v1, v6  }
.LBB2_57:
0x19b: {  	_ =	sdelay $0x4  }
0x19c: {  	[tilespmem:v6+s9+$0x0] =	vst.idx.add.s32.msk vm0, v3  }
.LBB2_31:
0x19d: {  	s15 =	simm.s32 $0x0  }
0x19e: {  	v6 =	vor.u32 s15, v1;
	_ =	sdelay $0x4  }
0x19f: {  	v8 =	vld.idx.msk [tilespmem:v6+s9+$0x0], $0xffff;
	_ =	sdelay $0x4  }
0x1a0: {  	(xrf0) =	vadd.scan.msk.s32 $0xffff, v8;
	_ =	sdelay $0x4  }
0x1a1: {  	s16 =	simm.s32 $0x10  }
0x1a2: {  	v7 =	vor.u32 s16, v1;
	s16 =	simm.s32 $0x20;
	v9, _, _ =	vpop (xrf0)  }
.LBB2_32:
0x1a3: {  	p0 =	seq.s32 s16, $0xFF0;
	v8 =	vsub.s32 s15, v8;
	(v2sf) =	vpush v9, $0xF  }
0x1a4: {  	v8 =	vadd.s32 v9, v8  }
0x1a5: {  	[tilespmem:v6+s12+$0x0] =	vst.idx.msk $0xffff, v8;
	v6 =	vmov v7;
	_ =	sdelay $0x1  }
0x1a6: {  	v8 =	vld.idx.msk [tilespmem:v7+s9+$0x0], $0xffff;
	_ =	sdelay $0x5  }
0x1a7: {  	(xrf0) =	vadd.scan.msk.s32 $0xffff, v8;
	_ =	sdelay $0x1  }
.Ltmp30:
0x1a8: {  	(pc) =	sbr.rel @!p0 .LBB2_32-.Ltmp30, $3  }
0x1a9: {  	_ =	sdelay $0x1  }
0x1aa: {  	s17 =	spop (v2sf)  }
0x1ab: {  	v7 =	vor.u32 s16, v1;
	s16 =	sadd.s32 $0x10, s16;
	v9, _, _ =	vpop (xrf0);
	s15 =	sadd.s32 s15, s17  }
0x1ac: {  	_ =	sdelay $0x1  }
0x1ad: {  	v8 =	vsub.s32 s15, v8  }
0x1ae: {  	v8 =	vadd.s32 v9, v8  }
0x1af: {  	[tilespmem:v6+s12+$0x0] =	vst.idx.msk $0xffff, v8  }
0x1b0: {  	v6 =	vld.idx.msk [tilespmem:v7+s9+$0x0], $0xffff;
	_ =	sdelay $0x4  }
0x1b1: {  	(xrf0) =	vadd.scan.msk.s32 $0xffff, v6;
	_ =	sdelay $0x2  }
0x1b2: {  	(v2sf) =	vpush v9, $0xF;
	_ =	sdelay $0x2  }
0x1b3: {  	v63, _, _ =	vpop (xrf0)  }
0x1b4: {  	(v2sf) =	vpush v63, $0xF;
	_ =	sdelay $0x9  }
0x1b5: {  	p0 =	slt.s32 s14, $0x1  }
.Ltmp31:
0x1b6: {  	s16 =	spop (v2sf);
	(pc) =	sbr.rel @p0 .LBB2_36-.Ltmp31, $4  }
0x1b7: {  	s30 =	sadd.s32 s15, s16  }
0x1b8: {  	v6 =	vsub.s32 s30, v6  }
0x1b9: {  	v6 =	vadd.s32 v63, v6  }
0x1ba: {  	[tilespmem:v7+s12+$0x0] =	vst.idx.msk $0xffff, v6;
	s31 =	spop (v2sf)  }
0x1bb: {  	s15 =	simm.s32 $0x0  }
.LBB2_35:
0x1bc: {  	v6 =	vadd.s32 s15, v5;
	_ =	sdelay $0x4  }
0x1bd: {  	v7 =	vld.idx.msk [tilespmem:v6+s11+$0x0], $0xffff;
	_ =	sdelay $0x7  }
0x1be: {  	v8 =	vld.idx.msk [tilespmem:v7+s2+$0x0], $0xffff;
	_ =	sdelay $0x4  }
0x1bf: {  	v8 =	vshrl.u32 v8, $0x14  }
0x1c0: {  	v8 =	vand.u32 $0xFF0, v8  }
0x1c1: {  	v8 =	vor.u32 v1, v8;
	_ =	sdelay $0x4  }
0x1c2: {  	v9 =	vld.idx.msk [tilespmem:v8+s12+$0x0], $0xffff;
	_ =	sdelay $0x1  }
0x1c3: {  	vm0 =	vlt.s32 v6, v4  }
0x1c4: {  	s15 =	sadd.s32 $0x1, s15  }
0x1c5: {  	p0 =	sne.s32 s14, s15  }
.Ltmp32:
0x1c6: {  	_ = 	snop;
	(pc) =	sbr.rel @p0 .LBB2_35-.Ltmp32, $3  }
0x1c7: {  	_ =	sdelay $0x1  }
0x1c8: {  	[tilespmem:v9+s10+$0x0] =	vst.idx.msk vm0, v7  }
0x1c9: {  	[tilespmem:v8+s12+$0x0] =	vst.idx.add.s32.msk vm0, v3  }
.LBB2_36:
0x1ca: {  	s14 =	simm.s32 $0x0  }
0x1cb: {  	v4 =	vor.u32 s14, v1;
	_ =	sdelay $0x4  }
0x1cc: {  	v6 =	vld.idx.msk [tilespmem:v4+s10+$0x0], $0xffff  }
0x1cd: {  	s31 =	simm.s32 $0x10  }
0x1ce: {  	v5 =	vor.u32 s31, v1;
	s14 =	simm.s32 $0x20  }
.LBB2_37:
0x1cf: {  	p0 =	sne.s32 s14, $0x7F0;
	_ =	sdelay $0x1  }
0x1d0: {  	v6 =	vadd.s32 v0, v6  }
.Ltmp33:
0x1d1: {  	[tilespmem:v4+s11+$0x0] =	vst.idx.msk $0xffff, v6;
	v4 =	vmov v5;
	(pc) =	sbr.rel @p0 .LBB2_37-.Ltmp33, $2  }
0x1d2: {  	v6 =	vld.idx.msk [tilespmem:v5+s10+$0x0], $0xffff;
	_ =	sdelay $0x2  }
0x1d3: {  	v5 =	vor.u32 s14, v1;
	s14 =	sadd.s32 $0x10, s14  }
0x1d4: {  	_ =	sdelay $0x2  }
0x1d5: {  	v6 =	vadd.s32 v0, v6  }
0x1d6: {  	[tilespmem:v4+s11+$0x0] =	vst.idx.msk $0xffff, v6  }
0x1d7: {  	v4 =	vld.idx.msk [tilespmem:v5+s10+$0x0], $0xffff;
	_ =	sdelay $0x3  }
0x1d8: {  	s13 =	sadd.s32 $0x1, s13  }
0x1d9: {  	p0 =	sne.s32 s13, s5;
	v4 =	vadd.s32 v0, v4  }
.Ltmp34:
0x1da: {  	[tilespmem:v5+s11+$0x0] =	vst.idx.msk $0xffff, v4;
	(pc) =	sbr.rel @p0 .LBB2_2-.Ltmp34, $4  }
0x1db: {  	[hbm4b:s3+s6] =	stream.strided.scatter [tilespmem:s11], [sflag:$0x1], $0x800, s7, s6, $0x38;
	[tilespmem:$0x1A000] =	vst v63  }
0x1dc: {  	_ =	swait.ge [sflag:s8], $0x800  }
0x1dd: {  	[sflag:s8] =	ssyncset.done $0x0  }
0x1de: {  	[sflag:s8] =	ssyncadd.s32 $0xFFFFF800  }
.LBB2_39:
0x1df: {  	_ =	sfence.sel $0x180000  }
0x1e0: {  	[bflag:$0x0] =	sbarrier.arrive $0xFFFF  }
0x1e1: {  	p0 =	sne.s32 s1, $0x0;
	_ =	strace $0x90000047  }
0x1e2: {  	s0 =	sadd.s32 @!p0 $0x100000, s0;
	[bflag:$0x2] =	sbarrier.arrive $0xFFFF  }
0x1e3: {  	[sflag:s0] =	ssyncadd.tile.s32 @!p0 $0x1;
	_ =	shalt  }
.Lfunc_end2:
_tile_overlayer_lowered:
.L_overlay_start_2:
0x1e4: {  	(tag) =	ssettag $0x2  }
0x1e5: {  	s0 =	rddreg [dreg:$0x0];
	s2 =	stileid.u32  }
0x1e6: {  	s1 =	rddreg [dreg:$0x1];
	p0 =	sne.s32 s2, $0x0  }
0x1e7: {  	s3 =	rddreg [dreg:$0x2];
	[bflag:$0x3] =	sbarrier.arrive $0xFFFF;
	s2 =	simm.s32 @!p0 $0x1C01  }
0x1e8: {  	[timem:s3], [sflag:s2] =	dma.local @!p0 [hbm:s0], s1  }
0x1e9: {  	s0 =	simm.s32 @!p0 $0x1  }
0x1ea: {  	_ =	swait.ge @!p0 [sflag:s0], s1  }
0x1eb: {  	s1 =	ssub.s32 @!p0 $0x0, s1;
	[sflag:s0] =	ssyncset.done @!p0 $0x0  }
0x1ec: {  	[sflag:s0] =	ssyncadd.s32 @!p0 s1  }
0x1ed: {  	[bflag:$0x3] =	sbarrier.arrive $0xFFFF  }
0x1ee: {  	_ =	shalt  }

// kernel: kernel.8.cloned.1.call-start
scs
__scs_entry_jumppad:
0x0: {  	(pc) =	sbr.rel $0x88, $3  }
0x1: {  	(tag) =	ssettag $0x0;
	lr =	simm.s32 $0x1  }
0x2: {  	[smem:$0x3F9E] =	sst lr;
	_ =	strace $0xD0000000  }
0x3: {  	_ = 	snop  }
0x4: {  	_ = 	snop  }
0x5: {  	_ = 	snop  }
0x6: {  	_ = 	snop  }
0x7: {  	_ = 	snop  }
__scs_overlays_trampoline_lowered:
0x8: {  	[smem:$0x3FAD] =	sst s0  }
0x9: {  	[smem:$0x3FAE] =	sst s1  }
0xa: {  	[smem:$0x3FAF] =	sst s2  }
0xb: {  	[smem:$0x3FB0] =	sst s3  }
0xc: {  	[smem:$0x3FB1] =	sst s4  }
0xd: {  	[smem:$0x3FB2] =	sst s5  }
0xe: {  	[smem:$0x3FB3] =	sst s6  }
0xf: {  	[smem:$0x3FB4] =	sst s7  }
0x10: {  	[smem:$0x3FB5] =	sst s8  }
0x11: {  	[smem:$0x3FB6] =	sst s9;
	s0 =	simm.s32 @!p0 $0x0  }
0x12: {  	s1 =	sld [smem:$0x3F9C];
	s0 =	simm.s32 @p0 $0x1  }
0x13: {  	[smem:$0x3FB7] =	sst s0;
	s0 =	simm.s32 @!p1 $0x0  }
0x14: {  	s2 =	sld [smem:$0x3F9B];
	s0 =	simm.s32 @p1 $0x1  }
0x15: {  	[smem:$0x3FB8] =	sst s0;
	s0 =	simm.s32 @!p2 $0x0  }
0x16: {  	s3 =	sld [smem:$0x3FDB];
	s0 =	simm.s32 @p2 $0x1  }
0x17: {  	s4 =	simm.s32 $0x1BF5;
	[smem:$0x3FBA] =	sst s0  }
0x18: {  	s0 =	sld [smem:$0x3F9D];
	_ =	swait.ge [sflag:s4], $0x0  }
0x19: {  	s7 =	sld [smem:$0x3F9E]  }
0x1a: {  	s8 =	sadd.s32 $0xFFFFE003, lr  }
0x1b: {  	s9 =	sadd.s32 $0xFFFFFEF7, lr;
	s5 =	simm.s32 $0xFFFFFFFF;
	p2 =	slt.u32 s8, $0xFFFFF086  }
0x1c: {  	p1 =	slt.u32 s9, $0xF7A;
	s5 =	simm.s32 @!p2 $0x0  }
0x1d: {  	s5 =	simm.s32 @p1 $0x1;
	p0 =	seq.s32 s7, s2  }
0x1e: {  	s7 =	smul.u32 @!p0 $0xF7A, s2;
	p2 =	seq.s32 @!p0 s5, $0x0  }
0x1f: {  	s9 =	smul.u32 $0xF7A, s1;
	s8 =	simm.s32 @!p0 $0x1BF5;
	p2 =	por !p2, p0  }
0x20: {  	[sflag:s8] =	ssyncset.s32 @!p0 $0xFFFFF086;
	s6 =	sadd.s32 @!p0 s3, s7;
	s7 =	simm.s32 @!p0 $0x108  }
0x21: {  	s3 =	sadd.s32 s3, s9;
	s6 =	sadd.s32 @!p0 $0x88, s6;
	s7 =	simm.s32 @p2 $0x1082  }
0x22: {  	[simem:s7], [sflag:s8] =	dma.local @!p0 [hbm:s6], $0xF7A  }
0x23: {  	s9 =	sor.u32 $0xD0000000, s2;
	s6 =	simm.s32 $0x108;
	_ =	swait.ge @!p0 [sflag:s8], $0x0  }
0x24: {  	s3 =	sadd.s32 $0x88, s3;
	s6 =	simm.s32 @!p1 $0x1082;
	[sflag:s4] =	ssyncset.s32 $0xFFFFF086  }
0x25: {  	[simem:s6], [sflag:s4] =	dma.local [hbm:s3], $0xF7A  }
0x26: {  	[smem:$0x3F9E] =	sst s1;
	(tag) =	ssettag s2;
	_ =	strace s9  }
0x27: {  	s1 =	sld [smem:$0x3FAE]  }
0x28: {  	s2 =	sld [smem:$0x3FAF]  }
0x29: {  	s4 =	sld [smem:$0x3FB1]  }
0x2a: {  	p0 =	seq.s32 s5, $0x0;
	s5 =	sld [smem:$0x3FB2]  }
0x2b: {  	s6 =	sld [smem:$0x3FB3]  }
0x2c: {  	s7 =	sld [smem:$0x3FB4]  }
0x2d: {  	s3 =	simm.s32 $0x108;
	s8 =	sld [smem:$0x3FB5]  }
0x2e: {  	s3 =	simm.s32 @!p0 $0x1082;
	s9 =	sld [smem:$0x3FB6]  }
0x2f: {  	lr =	sadd.s32 s0, s3;
	s0 =	sld [smem:$0x3FAD]  }
0x30: {  	s3 =	sld [smem:$0x3FB0]  }
0x31: {  	[smem:$0x3FB9] =	sst s10  }
0x32: {  	s10 =	sld [smem:$0x3FB7];
	_ =	sdelay $0x3  }
0x33: {  	p0 =	seq.s32 s10, $0x1;
	s10 =	sld [smem:$0x3FB9];
	_ =	sdelay $0x3  }
0x34: {  	[smem:$0x3FB9] =	sst s10  }
0x35: {  	s10 =	sld [smem:$0x3FB8];
	_ =	sdelay $0x3  }
0x36: {  	p1 =	seq.s32 s10, $0x1;
	s10 =	sld [smem:$0x3FB9];
	_ =	sdelay $0x3  }
0x37: {  	[smem:$0x3FB9] =	sst s10  }
0x38: {  	s10 =	sld [smem:$0x3FBA]  }
0x39: {  	_ = 	snop;
	(pc) =	sbr.ind lr, $3  }
0x3a: {  	_ = 	snop  }
0x3b: {  	_ = 	snop  }
0x3c: {  	p2 =	seq.s32 s10, $0x1;
	s10 =	sld [smem:$0x3FB9]  }
0x3d: {  	_ =	shalt  }
0x3e: {  	_ =	shalt  }
0x3f: {  	_ =	shalt  }
0x40: {  	_ =	shalt  }
0x41: {  	_ =	shalt  }
0x42: {  	_ =	shalt  }
0x43: {  	_ =	shalt  }
0x44: {  	_ =	shalt  }
0x45: {  	_ =	shalt  }
0x46: {  	_ =	shalt  }
0x47: {  	_ =	shalt  }
0x48: {  	_ =	shalt  }
0x49: {  	_ =	shalt  }
0x4a: {  	_ =	shalt  }
0x4b: {  	_ =	shalt  }
0x4c: {  	_ =	shalt  }
0x4d: {  	_ =	shalt  }
0x4e: {  	_ =	shalt  }
0x4f: {  	_ =	shalt  }
0x50: {  	_ =	shalt  }
0x51: {  	_ =	shalt  }
0x52: {  	_ =	shalt  }
0x53: {  	_ =	shalt  }
0x54: {  	_ =	shalt  }
0x55: {  	_ =	shalt  }
0x56: {  	_ =	shalt  }
0x57: {  	_ =	shalt  }
0x58: {  	_ =	shalt  }
0x59: {  	_ =	shalt  }
0x5a: {  	_ =	shalt  }
0x5b: {  	_ =	shalt  }
0x5c: {  	_ =	shalt  }
0x5d: {  	_ =	shalt  }
0x5e: {  	_ =	shalt  }
0x5f: {  	_ =	shalt  }
0x60: {  	_ =	shalt  }
0x61: {  	_ =	shalt  }
0x62: {  	_ =	shalt  }
0x63: {  	_ =	shalt  }
0x64: {  	_ =	shalt  }
0x65: {  	_ =	shalt  }
0x66: {  	_ =	shalt  }
0x67: {  	_ =	shalt  }
0x68: {  	_ =	shalt  }
0x69: {  	_ =	shalt  }
0x6a: {  	_ =	shalt  }
0x6b: {  	_ =	shalt  }
0x6c: {  	_ =	shalt  }
0x6d: {  	_ =	shalt  }
0x6e: {  	_ =	shalt  }
0x6f: {  	_ =	shalt  }
0x70: {  	_ =	shalt  }
0x71: {  	_ =	shalt  }
0x72: {  	_ =	shalt  }
0x73: {  	_ =	shalt  }
0x74: {  	_ =	shalt  }
0x75: {  	_ =	shalt  }
0x76: {  	_ =	shalt  }
0x77: {  	_ =	shalt  }
0x78: {  	_ =	shalt  }
0x79: {  	_ =	shalt  }
0x7a: {  	_ =	shalt  }
0x7b: {  	_ =	shalt  }
0x7c: {  	_ =	shalt  }
0x7d: {  	_ =	shalt  }
0x7e: {  	_ =	shalt  }
0x7f: {  	_ =	shalt  }
0x80: {  	_ =	shalt  }
0x81: {  	_ =	shalt  }
0x82: {  	_ =	shalt  }
0x83: {  	_ =	shalt  }
0x84: {  	_ =	shalt  }
0x85: {  	_ =	shalt  }
0x86: {  	_ =	shalt  }
0x87: {  	_ =	shalt  }
.Lfunc_end0:
.L_simem_size_0:
called_computation.1_lowered:
.L_overlay_start_0:
0x88: {  	s2 =	sld [smem:$0x3FD9]  }
0x89: {  	s3 =	sld [smem:$0x3FFE];
	_ =	sdelay $0x1  }
0x8a: {  	s1 =	srdreg.scid  }
0x8b: {  	s0 =	sand.u32 $0x1, s1  }
0x8c: {  	s17 =	sshll.u32 s0, $0xA;
	s2 =	sadd.s32 s3, s2  }
0x8d: {  	s2 =	sadd.s32 s2, s17  }
0x8e: {  	[smem:$0x3FC5] =	sst s2  }
0x8f: {  	_ = 	snop  }
0x90: {  	s2 =	sld [smem:$0x3FD0];
	(tm) =	ssettm $0x1  }
0x91: {  	s18 =	sld [smem:$0x3FFB];
	_ =	sdelay $0x3  }
0x92: {  	_ =	strace s18  }
0x93: {  	s3 =	sld [smem:$0x3FFC];
	_ =	sdelay $0x3  }
0x94: {  	_ =	strace s3  }
0x95: {  	s3 =	sld [smem:$0x3FFD];
	_ =	sdelay $0x3  }
0x96: {  	_ =	strace s3  }
0x97: {  	_ =	strace $0x8FFFFFFF  }
0x98: {  	s19 =	sld [smem:$0x3FDB];
	_ =	sdelay $0x1  }
0x99: {  	s4 =	simm.s32 $_scs_section_size  }
0x9a: {  	s5 =	simm.s32 $_size__tile_overlayer_lowered;
	s6 =	simm.s32 $_tile_overlayer_lowered  }
0x9b: {  	s22 =	simm.s32 $0x1BFF;
	s21 =	sshll.u32 s6, $0x1;
	s3 =	sadd.s32 s4, s19  }
0x9c: {  	s7 =	simm.s32 $0x0;
	s20 =	sshll.u32 s5, $0x1;
	s5 =	sadd.s32 s21, s3  }
0x9d: {  	[timem:s7], [sflag:s22] =	dma.local [hbm:s5], s20  }
0x9e: {  	_ =	swait.ge [sflag:s22], s20  }
0x9f: {  	s4 =	ssub.s32 $0x0, s20;
	[sflag:s22] =	ssyncset.done $0x0  }
0xa0: {  	[sflag:s22] =	ssyncadd.s32 s4;
	_ =	sdelay $0x1  }
0xa1: {  	s23 =	simm.s32 $0x1B8B  }
0xa2: {  	_ =	swait.ge [sflag:s23], $0x1  }
0xa3: {  	[sflag:s23] =	ssyncset.done $0x0  }
0xa4: {  	s25 =	simm.s32 $0x1B8E;
	s24 =	sld [smem:$0x3FFE];
	[sflag:s23] =	ssyncadd.s32 $0xFFFFFFFF  }
0xa5: {  	s26 =	simm.s32 $execute0_lowered;
	[smem:$0x3FD2] =	sst s25  }
0xa6: {  	s5 =	sshll.u32 s26, $0x1;
	_ =	strace $0x80000049;
	[dreg:$0x1] =	wrdreg $0xFFFFFFFF  }
0xa7: {  	s28 =	simm.s32 $_size_execute0_lowered;
	s3 =	sadd.s32 s3, s5;
	[dreg:$0x0] =	wrdreg $0x0  }
0xa8: {  	s5 =	sshll.u32 s28, $0x1;
	[dreg:$0x2] =	wrdreg s3  }
0xa9: {  	[dreg:$0x3] =	wrdreg s5  }
0xaa: {  	[dreg:$0x4] =	wrdreg $0xC0  }
0xab: {  	_ =	task [dreg:s7], $0x5FFFF  }
0xac: {  	[dreg:$0x1] =	wrdreg $0xFFFFFFFF  }
0xad: {  	[dreg:$0x0] =	wrdreg $0x60  }
0xae: {  	[dreg:$0x2] =	wrdreg s24  }
0xaf: {  	[dreg:$0x3] =	wrdreg s2  }
0xb0: {  	[dreg:$0x4] =	wrdreg $0x9  }
0xb1: {  	_ =	task.clear_ibuf [dreg:s7], $0x5FFFF;
	_ =	strace $0x90000049  }
0xb2: {  	s29 =	simm.s32 $0x9;
	_ =	strace $0x8000004B  }
0xb3: {  	_ =	swait.ge [sflag:s29], $0x1  }
0xb4: {  	[sflag:s29] =	ssyncadd.s32 $0xFFFFFFFF  }
0xb5: {  	_ =	strace $0x9000004B  }
0xb6: {  	_ =	sfence  }
0xb7: {  	s30 =	sld [smem:$0x0];
	_ =	sdelay $0x2  }
0xb8: {  	s31 =	sshll.u32 s1, $0xD;
	s1 =	sshrl.u32 s1, $0x2  }
0xb9: {  	s3 =	sand.u32 $0x4000, s31;
	s1 =	sadd.s32 s1, s30  }
0xba: {  	s0 =	sor.u32 s3, s0;
	s1 =	sshll.u32 s1, $0x11  }
0xbb: {  	s0 =	sor.u32 s1, s0  }
0xbc: {  	s0 =	sadd.s32 $0x8F2B, s0  }
0xbd: {  	[sflag:s0] =	ssyncadd.remote.s32 $0x1  }
0xbe: {  	_ =	sfence.sel $0xFFFF  }
0xbf: {  	[dreg:$0x0] =	wrdreg $0xFFFFFFFF;
	(pc) =	sbr.abs _section_cstart, $3  }
0xc0: {  	[dreg:$0x1] =	wrdreg $0xFFFFFFFF  }
0xc1: {  	_ =	task.clear_ibuf [dreg:s7], $0x2FFFF;
	_ =	strace $0x9FFFFFFF  }
0xc2: {  	(tm) =	ssettm $0x7FFFFFFF  }
0xc3: {  	_ =	shalt  }
tec
execute0_lowered:
.L_overlay_start_1:
0x0: {  	(tag) =	ssettag $0x1  }
0x1: {  	s1 =	srdreg.scid  }
0x2: {  	s0 =	stileid.u32;
	s6 =	sand.u32 $0x1, s1  }
0x3: {  	s5 =	rddreg [dreg:$0x0];
	s30 =	sshll.u32 s0, $0xA;
	s2 =	sshll.u32 s6, $0x9  }
0x4: {  	s8 =	rddreg [dreg:$0x1];
	s9 =	sor.u32 s2, s30  }
0x5: {  	s1 =	rddreg [dreg:$0x2];
	s2 =	simm.s32 $0x0;
	s3 =	sshrl.u32 s9, $0x3  }
0x6: {  	s10 =	ssub.s32 $0x2, s6;
	[smem:$0x7FF] =	sst s2;
	s3 =	sadd.s32 s3, s5  }
0x7: {  	_ =	strace $0x8000004A;
	s4 =	sadd.s32 $0x401000, s3;
	s3 =	simm.s32 $0x2  }
0x8: {  	[tilespmem:s2], [sflag:$0x2] =	stream.linear.gather [hbm4b:s4+s2], $0x200, $0x38;
	[tilespmem:$0x10200] =	vst v63  }
0x9: {  	s7 =	simm.s32 $0x1;
	s11 =	sshrl.u32 s10, $0x1;
	_ =	swait.ge [sflag:s3], $0x200  }
0xa: {  	s6 =	simm.s32 $0x200;
	s10 =	ssub.s32 s10, s11;
	[sflag:s3] =	ssyncset.done $0x0  }
0xb: {  	s5 =	sadd.s32 $0x800, s5;
	s31 =	smax.u32 s10, $0x1;
	[sflag:s3] =	ssyncadd.s32 $0xFFFFFE00  }
0xc: {  	[tilespmem:s6], [sflag:$0x1] =	stream.indirect.gather [hbm4b:s5+s6], $0x80, s2, s6, $0xb8;
	[tilespmem:$0x10200] =	vst v63  }
0xd: {  	p0 =	sne.s32 s31, $0x1;
	_ =	swait.ge [sflag:s7], $0x10000  }
.Ltmp0:
0xe: {  	s9 =	sshll.u32 s9, $0x4;
	[sflag:s7] =	ssyncset.done $0x0;
	(pc) =	sbr.rel @!p0 .LBB2_2-.Ltmp0, $4  }
0xf: {  	s8 =	sadd.s32 s8, s9;
	[sflag:s7] =	ssyncadd.s32 $0xFFFF0000  }
0x10: {  	[hbm4b:s8+s2] =	stream.linear.scatter [tilespmem:s6], [sflag:$0x2], $0x10000, $0x38;
	[tilespmem:$0x10200] =	vst v63  }
0x11: {  	_ =	swait.ge [sflag:s3], $0x10000  }
0x12: {  	s9 =	sadd.s32 $0xFFFFFFFF, s31;
	[sflag:s3] =	ssyncset.done $0x0  }
.LBB2_1:
0x13: {  	p0 =	sne.s32 s9, $0x1;
	s9 =	sadd.s32 $0xFFFFFFFF, s9;
	[sflag:s3] =	ssyncadd.s32 $0xFFFF0000  }
0x14: {  	[tilespmem:s2], [sflag:$0x2] =	stream.linear.gather [hbm4b:s4+s2], $0x200, $0x38;
	[tilespmem:$0x10200] =	vst v63  }
0x15: {  	_ =	swait.ge [sflag:s3], $0x200  }
0x16: {  	[sflag:s3] =	ssyncset.done $0x0  }
0x17: {  	[sflag:s3] =	ssyncadd.s32 $0xFFFFFE00  }
0x18: {  	[tilespmem:s6], [sflag:$0x1] =	stream.indirect.gather [hbm4b:s5+s6], $0x80, s2, s6, $0xb8;
	[tilespmem:$0x10200] =	vst v63  }
0x19: {  	_ =	swait.ge [sflag:s7], $0x10000  }
.Ltmp1:
0x1a: {  	[sflag:s7] =	ssyncset.done $0x0;
	(pc) =	sbr.rel @p0 .LBB2_1-.Ltmp1, $4  }
0x1b: {  	[sflag:s7] =	ssyncadd.s32 $0xFFFF0000  }
0x1c: {  	[hbm4b:s8+s2] =	stream.linear.scatter [tilespmem:s6], [sflag:$0x2], $0x10000, $0x38;
	[tilespmem:$0x10200] =	vst v63  }
0x1d: {  	_ =	swait.ge [sflag:s3], $0x10000  }
0x1e: {  	[sflag:s3] =	ssyncset.done $0x0  }
.LBB2_2:
0x1f: {  	[sflag:s3] =	ssyncadd.s32 $0xFFFF0000  }
0x20: {  	_ =	sfence.sel $0x180000  }
0x21: {  	[bflag:$0x0] =	sbarrier.arrive $0xFFFF  }
0x22: {  	p0 =	sne.s32 s0, $0x0;
	_ =	strace $0x9000004A  }
0x23: {  	s0 =	sadd.s32 @!p0 $0x100000, s1;
	[bflag:$0x2] =	sbarrier.arrive $0xFFFF  }
0x24: {  	[sflag:s0] =	ssyncadd.tile.s32 @!p0 $0x1;
	_ =	shalt  }
.Lfunc_end2:
_tile_overlayer_lowered:
.L_overlay_start_2:
0x25: {  	(tag) =	ssettag $0x2  }
0x26: {  	s0 =	rddreg [dreg:$0x0];
	s2 =	stileid.u32  }
0x27: {  	s1 =	rddreg [dreg:$0x1];
	p0 =	sne.s32 s2, $0x0  }
0x28: {  	s3 =	rddreg [dreg:$0x2];
	[bflag:$0x3] =	sbarrier.arrive $0xFFFF;
	s2 =	simm.s32 @!p0 $0x1C02  }
0x29: {  	[timem:s3], [sflag:s2] =	dma.local @!p0 [hbm:s0], s1  }
0x2a: {  	s0 =	simm.s32 @!p0 $0x2  }
0x2b: {  	_ =	swait.ge @!p0 [sflag:s0], s1  }
0x2c: {  	s1 =	ssub.s32 @!p0 $0x0, s1;
	[sflag:s0] =	ssyncset.done @!p0 $0x0  }
0x2d: {  	[sflag:s0] =	ssyncadd.s32 @!p0 s1  }
0x2e: {  	[bflag:$0x3] =	sbarrier.arrive $0xFFFF  }
0x2f: {  	_ =	shalt  }

</sc_bundles>
